<compile_context>
chip_gen: v7x
topology: tpu7x:2x2x1
jax: 0.10.2.dev20260603
libtpu: 0.0.44.dev20260713+nightly
codegen_flags: <defaults>
</compile_context>

<pallas_src>
import functools

import jax
import jax.numpy as jnp
from jax import lax
from jax.experimental import pallas as pl
from jax.experimental.pallas import tpu as pltpu
from jax.experimental.pallas import tpu_sc as plsc

_NUM_CORES = 2
_NUM_SUBCORES = 16
_NBUF = 3
_CHUNKS = (56, 56, 56, 40, 24, 16, 8)


def _sc_row_gather(x, w_t):
    V, D = w_t.shape
    B, S = x.shape
    T = B * S
    nw = _NUM_CORES * _NUM_SUBCORES
    b_per_w = T // nw
    w_per_row = S // b_per_w
    assert sum(_CHUNKS) == b_per_w and T % (8 * nw) == 0 and S % b_per_w == 0
    ch_max = max(_CHUNKS)
    n_ch = len(_CHUNKS)
    offs = [sum(_CHUNKS[:i]) for i in range(n_ch)]

    mesh = plsc.VectorSubcoreMesh(
        core_axis_name="c", subcore_axis_name="s",
        num_cores=_NUM_CORES, num_subcores=_NUM_SUBCORES)

    @functools.partial(
        pl.kernel,
        out_type=jax.ShapeDtypeStruct((T, D), jnp.float32),
        mesh=mesh,
        scratch_types=[
            pltpu.VMEM((b_per_w,), jnp.int32),
            pltpu.VMEM((_NBUF, ch_max, D), jnp.float32),
            pltpu.SemaphoreType.DMA,
            pltpu.SemaphoreType.DMA,
            [pltpu.SemaphoreType.DMA] * _NBUF,
        ],
        compiler_params=pltpu.CompilerParams(needs_layout_passes=False),
    )
    def sc_gather(x_hbm, w_hbm, out_hbm, idx_v, rows_v, g_sem0,
                  g_sem1, w_sems):
        wid = lax.axis_index("s") * _NUM_CORES + lax.axis_index("c")
        base = wid * b_per_w
        xrow = x_hbm.at[wid // w_per_row]
        col0 = (wid % w_per_row) * b_per_w

        pltpu.sync_copy(xrow.at[pl.ds(col0, b_per_w)], idx_v)

        g_sems = (g_sem0, g_sem1)

        def gather_start(c):
            return pltpu.async_copy(
                w_hbm.at[idx_v.at[pl.ds(offs[c], _CHUNKS[c])]],
                rows_v.at[c % _NBUF, pl.ds(0, _CHUNKS[c])], g_sems[c % 2])

        def write_start(c):
            return pltpu.async_copy(
                rows_v.at[c % _NBUF, pl.ds(0, _CHUNKS[c])],
                out_hbm.at[pl.ds(base + offs[c], _CHUNKS[c])],
                w_sems[c % _NBUF])

        gathers = [None] * n_ch
        writes = [None] * n_ch
        gathers[0] = gather_start(0)
        gathers[1] = gather_start(1)
        for c in range(n_ch):
            gathers[c].wait()
            writes[c] = write_start(c)
            nxt = c + 2
            if nxt < n_ch:
                prev = nxt - _NBUF
                if prev >= 0:
                    writes[prev].wait()
                    writes[prev] = None
                gathers[nxt] = gather_start(nxt)
        for wd in writes:
            if wd is not None:
                wd.wait()

    return sc_gather(x, w_t)


def kernel(x, W_E):
    B, S = x.shape
    D, V = W_E.shape
    w_t = W_E.T
    out = _sc_row_gather(x.astype(jnp.int32), w_t)
    return out.reshape(B, S, D)

# --- scband reference (transcript-rebuilt; emitter-appended) ---
"""Pipeline reference for scband-embed-32461362823628 (READ-ONLY COPY).

The authoritative reference and input builder live on the scoring server;
editing this copy changes nothing except your own understanding.
"""

import jax, jax.numpy as jnp
import numpy as np

D_VOCAB = 100000
D_MODEL = 768
BATCH = 4
SEQ = 2048


def setup_inputs(seed: int = 0) -> dict:
    key = jax.random.key(seed)
    k_x, k_w = jax.random.split(key)
    x = jax.random.randint(k_x, (BATCH, SEQ), 0, D_VOCAB, dtype=jnp.int64 if jax.config.jax_enable_x64 else jnp.int32)
    W_E = jax.random.normal(k_w, (D_MODEL, D_VOCAB), dtype=jnp.float32) / np.sqrt(D_MODEL)
    return {"x": x, "W_E": W_E}


def reference(x, W_E):
    # W_E[:, x] -> [d_model, batch, pos]; einsum 'dbp -> bpd'
    gathered = jnp.take(W_E, x, axis=1)  # [d, b, p]
    return jnp.transpose(gathered, (1, 2, 0))  # [b, p, d]

if __name__ == "__main__":
    import jax
    _d = setup_inputs()
    print(jax.jit(kernel)(*tuple(_d.values())))

</pallas_src>

<mosaic_0001>
#map = affine_map<(d0, d1) -> (0, 0)>
module attributes {stable_mosaic.version = 14 : i64} {
  func.func @sc_gather(%arg0: i32, %arg1: i32, %arg2: memref<4x2048xi32, #tpu.memory_space<hbm>>, %arg3: memref<100000x768xf32, #tpu.memory_space<hbm>>, %arg4: memref<8192x768xf32, #tpu.memory_space<hbm>>, %arg5: memref<256xi32, #tpu.memory_space<vmem>>, %arg6: memref<3x56x768xf32, #tpu.memory_space<vmem>>, %arg7: memref<!tpu.dma_semaphore, #tpu.memory_space<semaphore_mem>>, %arg8: memref<!tpu.dma_semaphore, #tpu.memory_space<semaphore_mem>>, %arg9: memref<!tpu.dma_semaphore, #tpu.memory_space<semaphore_mem>>, %arg10: memref<!tpu.dma_semaphore, #tpu.memory_space<semaphore_mem>>, %arg11: memref<!tpu.dma_semaphore, #tpu.memory_space<semaphore_mem>>) attributes {dimension_semantics = [#tpu.dimension_semantics<core_parallel>, #tpu.dimension_semantics<subcore_parallel>], iteration_bounds = array<i64: 2, 16>, scalar_prefetch = 0 : i64, scratch_operands = 7 : i64, tpu.core_type = #tpu.core_type<sc_vector_subcore>, window_params = [{transform_indices = #map}, {transform_indices = #map}, {transform_indices = #map}]} {
    %mul3A = arith.constant 2 : i32
    %mul3A_0 = arith.muli %arg1, %mul3A : i32
    %add3A = arith.addi %mul3A_0, %arg0 : i32
    %mul3A_1 = arith.constant 256 : i32
    %mul3A_2 = arith.muli %add3A, %mul3A_1 : i32
    %jit3A = arith.constant 8 : i32
    %div3A = arith.divsi %add3A, %jit3A : i32
    %sign3A = arith.constant 0 : i32
    %sign3A_3 = arith.cmpi sgt, %add3A, %sign3A : i32
    %sign3A_4 = arith.extui %sign3A_3 : i1 to i32
    %sign3A_5 = arith.constant 0 : i32
    %sign3A_6 = arith.cmpi slt, %add3A, %sign3A_5 : i32
    %sign3A_7 = arith.extui %sign3A_6 : i1 to i32
    %sign3A_8 = arith.subi %sign3A_4, %sign3A_7 : i32
    %sign3A_9 = arith.constant 0 : i32
    %sign3A_10 = arith.cmpi sgt, %jit3A, %sign3A_9 : i32
    %sign3A_11 = arith.extui %sign3A_10 : i1 to i32
    %sign3A_12 = arith.constant 0 : i32
    %sign3A_13 = arith.cmpi slt, %jit3A, %sign3A_12 : i32
    %sign3A_14 = arith.extui %sign3A_13 : i1 to i32
    %sign3A_15 = arith.subi %sign3A_11, %sign3A_14 : i32
    %ne3A = arith.cmpi ne, %sign3A_8, %sign3A_15 : i32
    %rem3A = arith.remsi %add3A, %jit3A : i32
    %ne3A_16 = arith.constant 0 : i32
    %ne3A_17 = arith.cmpi ne, %rem3A, %ne3A_16 : i32
    %and3A = arith.andi %ne3A, %ne3A_17 : i1
    %sub3A = arith.constant 1 : i32
    %sub3A_18 = arith.subi %div3A, %sub3A : i32
    %select_n3A = arith.select %and3A, %sub3A_18, %div3A : i32
    %jit3A_19 = arith.constant 8 : i32
    %eq3A = arith.constant 0 : i32
    %eq3A_20 = arith.cmpi eq, %jit3A_19, %eq3A : i32
    %jit3A_21 = arith.constant 1 : i32
    %select_n3A_22 = arith.select %eq3A_20, %jit3A_21, %jit3A_19 : i32
    %rem3A_23 = arith.remsi %add3A, %select_n3A_22 : i32
    %ne3A_24 = arith.constant 0 : i32
    %ne3A_25 = arith.cmpi ne, %rem3A_23, %ne3A_24 : i32
    %lt3A = arith.constant 0 : i32
    %lt3A_26 = arith.cmpi slt, %rem3A_23, %lt3A : i32
    %lt3A_27 = arith.constant 0 : i32
    %lt3A_28 = arith.cmpi slt, %select_n3A_22, %lt3A_27 : i32
    %ne3A_29 = arith.xori %lt3A_26, %lt3A_28 : i1
    %and3A_30 = arith.andi %ne3A_29, %ne3A_25 : i1
    %add3A_31 = arith.addi %rem3A_23, %select_n3A_22 : i32
    %select_n3A_32 = arith.select %and3A_30, %add3A_31, %rem3A_23 : i32
    %mul3A_33 = arith.constant 256 : i32
    %mul3A_34 = arith.muli %select_n3A_32, %mul3A_33 : i32
    "tpu.region"() ({
      %run_scoped3A = tpu.sem_alloc : memref<!tpu.dma_semaphore, #tpu.memory_space<semaphore_mem>>
      %dma_start3A_369 = arith.constant 0 : i32
      %dma_start3A_370 = tpu.memref_slice %arg2[%select_n3A, %dma_start3A_369] : memref<4x2048xi32, #tpu.memory_space<hbm>> -> memref<1x2048xi32, #tpu.memory_space<hbm>>
      %dma_start3A_371 = tpu.memref_squeeze %dma_start3A_370 : memref<1x2048xi32, #tpu.memory_space<hbm>> -> memref<2048xi32, #tpu.memory_space<hbm>>
      %dma_start3A_372 = tpu.memref_slice %dma_start3A_371[%mul3A_34] : memref<2048xi32, #tpu.memory_space<hbm>> -> memref<256xi32, #tpu.memory_space<hbm>>
      %dma_start3A_373 = arith.constant 0 : i32
      %dma_start3A_374 = tpu.memref_slice %arg2[%select_n3A, %dma_start3A_373] : memref<4x2048xi32, #tpu.memory_space<hbm>> -> memref<1x2048xi32, #tpu.memory_space<hbm>>
      %dma_start3A_375 = tpu.memref_squeeze %dma_start3A_374 : memref<1x2048xi32, #tpu.memory_space<hbm>> -> memref<2048xi32, #tpu.memory_space<hbm>>
      %dma_start3A_376 = tpu.memref_slice %dma_start3A_375[%mul3A_34] : memref<2048xi32, #tpu.memory_space<hbm>> -> memref<256xi32, #tpu.memory_space<hbm>>
      tpu.enqueue_dma source(%dma_start3A_376 : memref<256xi32, #tpu.memory_space<hbm>>) target(%arg5 : memref<256xi32, #tpu.memory_space<vmem>>) target_semaphore(%run_scoped3A : memref<!tpu.dma_semaphore, #tpu.memory_space<semaphore_mem>>)
      %dma_wait3A_377 = arith.constant 0 : i32
      %dma_wait3A_378 = tpu.memref_slice %arg2[%select_n3A, %dma_wait3A_377] : memref<4x2048xi32, #tpu.memory_space<hbm>> -> memref<1x2048xi32, #tpu.memory_space<hbm>>
      %dma_wait3A_379 = tpu.memref_squeeze %dma_wait3A_378 : memref<1x2048xi32, #tpu.memory_space<hbm>> -> memref<2048xi32, #tpu.memory_space<hbm>>
      %dma_wait3A_380 = tpu.memref_slice %dma_wait3A_379[%mul3A_34] : memref<2048xi32, #tpu.memory_space<hbm>> -> memref<256xi32, #tpu.memory_space<hbm>>
      %dma_wait3A_381 = arith.constant 0 : i32
      %dma_wait3A_382 = tpu.memref_slice %arg2[%select_n3A, %dma_wait3A_381] : memref<4x2048xi32, #tpu.memory_space<hbm>> -> memref<1x2048xi32, #tpu.memory_space<hbm>>
      %dma_wait3A_383 = tpu.memref_squeeze %dma_wait3A_382 : memref<1x2048xi32, #tpu.memory_space<hbm>> -> memref<2048xi32, #tpu.memory_space<hbm>>
      %dma_wait3A_384 = tpu.memref_slice %dma_wait3A_383[%mul3A_34] : memref<2048xi32, #tpu.memory_space<hbm>> -> memref<256xi32, #tpu.memory_space<hbm>>
      tpu.wait_dma2 semaphore(%run_scoped3A : memref<!tpu.dma_semaphore, #tpu.memory_space<semaphore_mem>>) src(%dma_wait3A_384 : memref<256xi32, #tpu.memory_space<hbm>>) dst(%arg5 : memref<256xi32, #tpu.memory_space<vmem>>)
      tpu.yield
    }) : () -> ()
    %dma_start3A = arith.constant 0 : i32
    %dma_start3A_35 = arith.constant 0 : i32
    %dma_start3A_36 = arith.constant 0 : i32
    %dma_start3A_37 = tpu.memref_slice %arg6[%dma_start3A, %dma_start3A_35, %dma_start3A_36] : memref<3x56x768xf32, #tpu.memory_space<vmem>> -> memref<1x56x768xf32, #tpu.memory_space<vmem>>
    %dma_start3A_38 = tpu.memref_squeeze %dma_start3A_37 : memref<1x56x768xf32, #tpu.memory_space<vmem>> -> memref<56x768xf32, #tpu.memory_space<vmem>>
    %dma_start3A_39 = arith.constant 0 : i32
    %dma_start3A_40 = tpu.memref_slice %arg5[%dma_start3A_39] : memref<256xi32, #tpu.memory_space<vmem>> -> memref<56xi32, #tpu.memory_space<vmem>>
    %dma_start3A_41 = arith.constant 0 : i32
    %dma_start3A_42 = arith.constant 0 : i32
    %dma_start3A_43 = tpu.memref_slice %arg3[%dma_start3A_41, %dma_start3A_42] : memref<100000x768xf32, #tpu.memory_space<hbm>> -> memref<100000x768xf32, #tpu.memory_space<hbm>>
    tpu.enqueue_indirect_dma source(%dma_start3A_43 : memref<100000x768xf32, #tpu.memory_space<hbm>>) target(%dma_start3A_38 : memref<56x768xf32, #tpu.memory_space<vmem>>) offsets(%dma_start3A_40 : memref<56xi32, #tpu.memory_space<vmem>>) semaphore(%arg7 : memref<!tpu.dma_semaphore, #tpu.memory_space<semaphore_mem>>)
    %dma_start3A_44 = arith.constant 1 : i32
    %dma_start3A_45 = arith.constant 0 : i32
    %dma_start3A_46 = arith.constant 0 : i32
    %dma_start3A_47 = tpu.memref_slice %arg6[%dma_start3A_44, %dma_start3A_45, %dma_start3A_46] : memref<3x56x768xf32, #tpu.memory_space<vmem>> -> memref<1x56x768xf32, #tpu.memory_space<vmem>>
    %dma_start3A_48 = tpu.memref_squeeze %dma_start3A_47 : memref<1x56x768xf32, #tpu.memory_space<vmem>> -> memref<56x768xf32, #tpu.memory_space<vmem>>
    %dma_start3A_49 = arith.constant 56 : i32
    %dma_start3A_50 = tpu.memref_slice %arg5[%dma_start3A_49] : memref<256xi32, #tpu.memory_space<vmem>> -> memref<56xi32, #tpu.memory_space<vmem>>
    %dma_start3A_51 = arith.constant 0 : i32
    %dma_start3A_52 = arith.constant 0 : i32
    %dma_start3A_53 = tpu.memref_slice %arg3[%dma_start3A_51, %dma_start3A_52] : memref<100000x768xf32, #tpu.memory_space<hbm>> -> memref<100000x768xf32, #tpu.memory_space<hbm>>
    tpu.enqueue_indirect_dma source(%dma_start3A_53 : memref<100000x768xf32, #tpu.memory_space<hbm>>) target(%dma_start3A_48 : memref<56x768xf32, #tpu.memory_space<vmem>>) offsets(%dma_start3A_50 : memref<56xi32, #tpu.memory_space<vmem>>) semaphore(%arg8 : memref<!tpu.dma_semaphore, #tpu.memory_space<semaphore_mem>>)
    %dma_wait3A = arith.constant 0 : i32
    %dma_wait3A_54 = arith.constant 0 : i32
    %dma_wait3A_55 = arith.constant 0 : i32
    %dma_wait3A_56 = tpu.memref_slice %arg6[%dma_wait3A, %dma_wait3A_54, %dma_wait3A_55] : memref<3x56x768xf32, #tpu.memory_space<vmem>> -> memref<1x56x768xf32, #tpu.memory_space<vmem>>
    %dma_wait3A_57 = tpu.memref_squeeze %dma_wait3A_56 : memref<1x56x768xf32, #tpu.memory_space<vmem>> -> memref<56x768xf32, #tpu.memory_space<vmem>>
    %dma_wait3A_58 = arith.constant 0 : i32
    %dma_wait3A_59 = tpu.memref_slice %arg5[%dma_wait3A_58] : memref<256xi32, #tpu.memory_space<vmem>> -> memref<56xi32, #tpu.memory_space<vmem>>
    %dma_wait3A_60 = arith.constant 0 : i32
    %dma_wait3A_61 = arith.constant 0 : i32
    %dma_wait3A_62 = tpu.memref_slice %arg3[%dma_wait3A_60, %dma_wait3A_61] : memref<100000x768xf32, #tpu.memory_space<hbm>> -> memref<100000x768xf32, #tpu.memory_space<hbm>>
    tpu.wait_indirect_dma semaphore(%arg7 : memref<!tpu.dma_semaphore, #tpu.memory_space<semaphore_mem>>) src(%dma_wait3A_62 : memref<100000x768xf32, #tpu.memory_space<hbm>>) dst(%dma_wait3A_57 : memref<56x768xf32, #tpu.memory_space<vmem>>)
    %add3A_63 = arith.constant 0 : i32
    %add3A_64 = arith.addi %mul3A_2, %add3A_63 : i32
    %dma_start3A_65 = arith.constant 0 : i32
    %dma_start3A_66 = arith.constant 0 : i32
    %dma_start3A_67 = arith.constant 0 : i32
    %dma_start3A_68 = tpu.memref_slice %arg6[%dma_start3A_65, %dma_start3A_66, %dma_start3A_67] : memref<3x56x768xf32, #tpu.memory_space<vmem>> -> memref<1x56x768xf32, #tpu.memory_space<vmem>>
    %dma_start3A_69 = tpu.memref_squeeze %dma_start3A_68 : memref<1x56x768xf32, #tpu.memory_space<vmem>> -> memref<56x768xf32, #tpu.memory_space<vmem>>
    %dma_start3A_70 = arith.constant 0 : i32
    %dma_start3A_71 = tpu.memref_slice %arg4[%add3A_64, %dma_start3A_70] : memref<8192x768xf32, #tpu.memory_space<hbm>> -> memref<56x768xf32, #tpu.memory_space<hbm>>
    %dma_start3A_72 = arith.constant 0 : i32
    %dma_start3A_73 = tpu.memref_slice %arg4[%add3A_64, %dma_start3A_72] : memref<8192x768xf32, #tpu.memory_space<hbm>> -> memref<56x768xf32, #tpu.memory_space<hbm>>
    %dma_start3A_74 = arith.constant 0 : i32
    %dma_start3A_75 = arith.constant 0 : i32
    %dma_start3A_76 = tpu.memref_slice %arg6[%dma_start3A_65, %dma_start3A_74, %dma_start3A_75] : memref<3x56x768xf32, #tpu.memory_space<vmem>> -> memref<1x56x768xf32, #tpu.memory_space<vmem>>
    %dma_start3A_77 = tpu.memref_squeeze %dma_start3A_76 : memref<1x56x768xf32, #tpu.memory_space<vmem>> -> memref<56x768xf32, #tpu.memory_space<vmem>>
    tpu.enqueue_dma source(%dma_start3A_77 : memref<56x768xf32, #tpu.memory_space<vmem>>) target(%dma_start3A_73 : memref<56x768xf32, #tpu.memory_space<hbm>>) target_semaphore(%arg9 : memref<!tpu.dma_semaphore, #tpu.memory_space<semaphore_mem>>)
    %dma_start3A_78 = arith.constant 2 : i32
    %dma_start3A_79 = arith.constant 0 : i32
    %dma_start3A_80 = arith.constant 0 : i32
    %dma_start3A_81 = tpu.memref_slice %arg6[%dma_start3A_78, %dma_start3A_79, %dma_start3A_80] : memref<3x56x768xf32, #tpu.memory_space<vmem>> -> memref<1x56x768xf32, #tpu.memory_space<vmem>>
    %dma_start3A_82 = tpu.memref_squeeze %dma_start3A_81 : memref<1x56x768xf32, #tpu.memory_space<vmem>> -> memref<56x768xf32, #tpu.memory_space<vmem>>
    %dma_start3A_83 = arith.constant 112 : i32
    %dma_start3A_84 = tpu.memref_slice %arg5[%dma_start3A_83] : memref<256xi32, #tpu.memory_space<vmem>> -> memref<56xi32, #tpu.memory_space<vmem>>
    %dma_start3A_85 = arith.constant 0 : i32
    %dma_start3A_86 = arith.constant 0 : i32
    %dma_start3A_87 = tpu.memref_slice %arg3[%dma_start3A_85, %dma_start3A_86] : memref<100000x768xf32, #tpu.memory_space<hbm>> -> memref<100000x768xf32, #tpu.memory_space<hbm>>
    tpu.enqueue_indirect_dma source(%dma_start3A_87 : memref<100000x768xf32, #tpu.memory_space<hbm>>) target(%dma_start3A_82 : memref<56x768xf32, #tpu.memory_space<vmem>>) offsets(%dma_start3A_84 : memref<56xi32, #tpu.memory_space<vmem>>) semaphore(%arg7 : memref<!tpu.dma_semaphore, #tpu.memory_space<semaphore_mem>>)
    %dma_wait3A_88 = arith.constant 1 : i32
    %dma_wait3A_89 = arith.constant 0 : i32
    %dma_wait3A_90 = arith.constant 0 : i32
    %dma_wait3A_91 = tpu.memref_slice %arg6[%dma_wait3A_88, %dma_wait3A_89, %dma_wait3A_90] : memref<3x56x768xf32, #tpu.memory_space<vmem>> -> memref<1x56x768xf32, #tpu.memory_space<vmem>>
    %dma_wait3A_92 = tpu.memref_squeeze %dma_wait3A_91 : memref<1x56x768xf32, #tpu.memory_space<vmem>> -> memref<56x768xf32, #tpu.memory_space<vmem>>
    %dma_wait3A_93 = arith.constant 56 : i32
    %dma_wait3A_94 = tpu.memref_slice %arg5[%dma_wait3A_93] : memref<256xi32, #tpu.memory_space<vmem>> -> memref<56xi32, #tpu.memory_space<vmem>>
    %dma_wait3A_95 = arith.constant 0 : i32
    %dma_wait3A_96 = arith.constant 0 : i32
    %dma_wait3A_97 = tpu.memref_slice %arg3[%dma_wait3A_95, %dma_wait3A_96] : memref<100000x768xf32, #tpu.memory_space<hbm>> -> memref<100000x768xf32, #tpu.memory_space<hbm>>
    tpu.wait_indirect_dma semaphore(%arg8 : memref<!tpu.dma_semaphore, #tpu.memory_space<semaphore_mem>>) src(%dma_wait3A_97 : memref<100000x768xf32, #tpu.memory_space<hbm>>) dst(%dma_wait3A_92 : memref<56x768xf32, #tpu.memory_space<vmem>>)
    %add3A_98 = arith.constant 56 : i32
    %add3A_99 = arith.addi %mul3A_2, %add3A_98 : i32
    %dma_start3A_100 = arith.constant 1 : i32
    %dma_start3A_101 = arith.constant 0 : i32
    %dma_start3A_102 = arith.constant 0 : i32
    %dma_start3A_103 = tpu.memref_slice %arg6[%dma_start3A_100, %dma_start3A_101, %dma_start3A_102] : memref<3x56x768xf32, #tpu.memory_space<vmem>> -> memref<1x56x768xf32, #tpu.memory_space<vmem>>
    %dma_start3A_104 = tpu.memref_squeeze %dma_start3A_103 : memref<1x56x768xf32, #tpu.memory_space<vmem>> -> memref<56x768xf32, #tpu.memory_space<vmem>>
    %dma_start3A_105 = arith.constant 0 : i32
    %dma_start3A_106 = tpu.memref_slice %arg4[%add3A_99, %dma_start3A_105] : memref<8192x768xf32, #tpu.memory_space<hbm>> -> memref<56x768xf32, #tpu.memory_space<hbm>>
    %dma_start3A_107 = arith.constant 0 : i32
    %dma_start3A_108 = tpu.memref_slice %arg4[%add3A_99, %dma_start3A_107] : memref<8192x768xf32, #tpu.memory_space<hbm>> -> memref<56x768xf32, #tpu.memory_space<hbm>>
    %dma_start3A_109 = arith.constant 0 : i32
    %dma_start3A_110 = arith.constant 0 : i32
    %dma_start3A_111 = tpu.memref_slice %arg6[%dma_start3A_100, %dma_start3A_109, %dma_start3A_110] : memref<3x56x768xf32, #tpu.memory_space<vmem>> -> memref<1x56x768xf32, #tpu.memory_space<vmem>>
    %dma_start3A_112 = tpu.memref_squeeze %dma_start3A_111 : memref<1x56x768xf32, #tpu.memory_space<vmem>> -> memref<56x768xf32, #tpu.memory_space<vmem>>
    tpu.enqueue_dma source(%dma_start3A_112 : memref<56x768xf32, #tpu.memory_space<vmem>>) target(%dma_start3A_108 : memref<56x768xf32, #tpu.memory_space<hbm>>) target_semaphore(%arg10 : memref<!tpu.dma_semaphore, #tpu.memory_space<semaphore_mem>>)
    %dma_wait3A_113 = arith.constant 0 : i32
    %dma_wait3A_114 = arith.constant 0 : i32
    %dma_wait3A_115 = arith.constant 0 : i32
    %dma_wait3A_116 = tpu.memref_slice %arg6[%dma_wait3A_113, %dma_wait3A_114, %dma_wait3A_115] : memref<3x56x768xf32, #tpu.memory_space<vmem>> -> memref<1x56x768xf32, #tpu.memory_space<vmem>>
    %dma_wait3A_117 = tpu.memref_squeeze %dma_wait3A_116 : memref<1x56x768xf32, #tpu.memory_space<vmem>> -> memref<56x768xf32, #tpu.memory_space<vmem>>
    %dma_wait3A_118 = arith.constant 0 : i32
    %dma_wait3A_119 = tpu.memref_slice %arg4[%add3A_64, %dma_wait3A_118] : memref<8192x768xf32, #tpu.memory_space<hbm>> -> memref<56x768xf32, #tpu.memory_space<hbm>>
    %dma_wait3A_120 = arith.constant 0 : i32
    %dma_wait3A_121 = tpu.memref_slice %arg4[%add3A_64, %dma_wait3A_120] : memref<8192x768xf32, #tpu.memory_space<hbm>> -> memref<56x768xf32, #tpu.memory_space<hbm>>
    %dma_wait3A_122 = arith.constant 0 : i32
    %dma_wait3A_123 = arith.constant 0 : i32
    %dma_wait3A_124 = tpu.memref_slice %arg6[%dma_wait3A_113, %dma_wait3A_122, %dma_wait3A_123] : memref<3x56x768xf32, #tpu.memory_space<vmem>> -> memref<1x56x768xf32, #tpu.memory_space<vmem>>
    %dma_wait3A_125 = tpu.memref_squeeze %dma_wait3A_124 : memref<1x56x768xf32, #tpu.memory_space<vmem>> -> memref<56x768xf32, #tpu.memory_space<vmem>>
    tpu.wait_dma2 semaphore(%arg9 : memref<!tpu.dma_semaphore, #tpu.memory_space<semaphore_mem>>) src(%dma_wait3A_125 : memref<56x768xf32, #tpu.memory_space<vmem>>) dst(%dma_wait3A_121 : memref<56x768xf32, #tpu.memory_space<hbm>>)
    %dma_start3A_126 = arith.constant 0 : i32
    %dma_start3A_127 = arith.constant 0 : i32
    %dma_start3A_128 = arith.constant 0 : i32
    %dma_start3A_129 = tpu.memref_slice %arg6[%dma_start3A_126, %dma_start3A_127, %dma_start3A_128] : memref<3x56x768xf32, #tpu.memory_space<vmem>> -> memref<1x40x768xf32, #tpu.memory_space<vmem>>
    %dma_start3A_130 = tpu.memref_squeeze %dma_start3A_129 : memref<1x40x768xf32, #tpu.memory_space<vmem>> -> memref<40x768xf32, #tpu.memory_space<vmem>>
    %dma_start3A_131 = arith.constant 168 : i32
    %dma_start3A_132 = tpu.memref_slice %arg5[%dma_start3A_131] : memref<256xi32, #tpu.memory_space<vmem>> -> memref<40xi32, #tpu.memory_space<vmem>>
    %dma_start3A_133 = arith.constant 0 : i32
    %dma_start3A_134 = arith.constant 0 : i32
    %dma_start3A_135 = tpu.memref_slice %arg3[%dma_start3A_133, %dma_start3A_134] : memref<100000x768xf32, #tpu.memory_space<hbm>> -> memref<100000x768xf32, #tpu.memory_space<hbm>>
    tpu.enqueue_indirect_dma source(%dma_start3A_135 : memref<100000x768xf32, #tpu.memory_space<hbm>>) target(%dma_start3A_130 : memref<40x768xf32, #tpu.memory_space<vmem>>) offsets(%dma_start3A_132 : memref<40xi32, #tpu.memory_space<vmem>>) semaphore(%arg8 : memref<!tpu.dma_semaphore, #tpu.memory_space<semaphore_mem>>)
    %dma_wait3A_136 = arith.constant 2 : i32
    %dma_wait3A_137 = arith.constant 0 : i32
    %dma_wait3A_138 = arith.constant 0 : i32
    %dma_wait3A_139 = tpu.memref_slice %arg6[%dma_wait3A_136, %dma_wait3A_137, %dma_wait3A_138] : memref<3x56x768xf32, #tpu.memory_space<vmem>> -> memref<1x56x768xf32, #tpu.memory_space<vmem>>
    %dma_wait3A_140 = tpu.memref_squeeze %dma_wait3A_139 : memref<1x56x768xf32, #tpu.memory_space<vmem>> -> memref<56x768xf32, #tpu.memory_space<vmem>>
    %dma_wait3A_141 = arith.constant 112 : i32
    %dma_wait3A_142 = tpu.memref_slice %arg5[%dma_wait3A_141] : memref<256xi32, #tpu.memory_space<vmem>> -> memref<56xi32, #tpu.memory_space<vmem>>
    %dma_wait3A_143 = arith.constant 0 : i32
    %dma_wait3A_144 = arith.constant 0 : i32
    %dma_wait3A_145 = tpu.memref_slice %arg3[%dma_wait3A_143, %dma_wait3A_144] : memref<100000x768xf32, #tpu.memory_space<hbm>> -> memref<100000x768xf32, #tpu.memory_space<hbm>>
    tpu.wait_indirect_dma semaphore(%arg7 : memref<!tpu.dma_semaphore, #tpu.memory_space<semaphore_mem>>) src(%dma_wait3A_145 : memref<100000x768xf32, #tpu.memory_space<hbm>>) dst(%dma_wait3A_140 : memref<56x768xf32, #tpu.memory_space<vmem>>)
    %add3A_146 = arith.constant 112 : i32
    %add3A_147 = arith.addi %mul3A_2, %add3A_146 : i32
    %dma_start3A_148 = arith.constant 2 : i32
    %dma_start3A_149 = arith.constant 0 : i32
    %dma_start3A_150 = arith.constant 0 : i32
    %dma_start3A_151 = tpu.memref_slice %arg6[%dma_start3A_148, %dma_start3A_149, %dma_start3A_150] : memref<3x56x768xf32, #tpu.memory_space<vmem>> -> memref<1x56x768xf32, #tpu.memory_space<vmem>>
    %dma_start3A_152 = tpu.memref_squeeze %dma_start3A_151 : memref<1x56x768xf32, #tpu.memory_space<vmem>> -> memref<56x768xf32, #tpu.memory_space<vmem>>
    %dma_start3A_153 = arith.constant 0 : i32
    %dma_start3A_154 = tpu.memref_slice %arg4[%add3A_147, %dma_start3A_153] : memref<8192x768xf32, #tpu.memory_space<hbm>> -> memref<56x768xf32, #tpu.memory_space<hbm>>
    %dma_start3A_155 = arith.constant 0 : i32
    %dma_start3A_156 = tpu.memref_slice %arg4[%add3A_147, %dma_start3A_155] : memref<8192x768xf32, #tpu.memory_space<hbm>> -> memref<56x768xf32, #tpu.memory_space<hbm>>
    %dma_start3A_157 = arith.constant 0 : i32
    %dma_start3A_158 = arith.constant 0 : i32
    %dma_start3A_159 = tpu.memref_slice %arg6[%dma_start3A_148, %dma_start3A_157, %dma_start3A_158] : memref<3x56x768xf32, #tpu.memory_space<vmem>> -> memref<1x56x768xf32, #tpu.memory_space<vmem>>
    %dma_start3A_160 = tpu.memref_squeeze %dma_start3A_159 : memref<1x56x768xf32, #tpu.memory_space<vmem>> -> memref<56x768xf32, #tpu.memory_space<vmem>>
    tpu.enqueue_dma source(%dma_start3A_160 : memref<56x768xf32, #tpu.memory_space<vmem>>) target(%dma_start3A_156 : memref<56x768xf32, #tpu.memory_space<hbm>>) target_semaphore(%arg11 : memref<!tpu.dma_semaphore, #tpu.memory_space<semaphore_mem>>)
    %dma_wait3A_161 = arith.constant 1 : i32
    %dma_wait3A_162 = arith.constant 0 : i32
    %dma_wait3A_163 = arith.constant 0 : i32
    %dma_wait3A_164 = tpu.memref_slice %arg6[%dma_wait3A_161, %dma_wait3A_162, %dma_wait3A_163] : memref<3x56x768xf32, #tpu.memory_space<vmem>> -> memref<1x56x768xf32, #tpu.memory_space<vmem>>
    %dma_wait3A_165 = tpu.memref_squeeze %dma_wait3A_164 : memref<1x56x768xf32, #tpu.memory_space<vmem>> -> memref<56x768xf32, #tpu.memory_space<vmem>>
    %dma_wait3A_166 = arith.constant 0 : i32
    %dma_wait3A_167 = tpu.memref_slice %arg4[%add3A_99, %dma_wait3A_166] : memref<8192x768xf32, #tpu.memory_space<hbm>> -> memref<56x768xf32, #tpu.memory_space<hbm>>
    %dma_wait3A_168 = arith.constant 0 : i32
    %dma_wait3A_169 = tpu.memref_slice %arg4[%add3A_99, %dma_wait3A_168] : memref<8192x768xf32, #tpu.memory_space<hbm>> -> memref<56x768xf32, #tpu.memory_space<hbm>>
    %dma_wait3A_170 = arith.constant 0 : i32
    %dma_wait3A_171 = arith.constant 0 : i32
    %dma_wait3A_172 = tpu.memref_slice %arg6[%dma_wait3A_161, %dma_wait3A_170, %dma_wait3A_171] : memref<3x56x768xf32, #tpu.memory_space<vmem>> -> memref<1x56x768xf32, #tpu.memory_space<vmem>>
    %dma_wait3A_173 = tpu.memref_squeeze %dma_wait3A_172 : memref<1x56x768xf32, #tpu.memory_space<vmem>> -> memref<56x768xf32, #tpu.memory_space<vmem>>
    tpu.wait_dma2 semaphore(%arg10 : memref<!tpu.dma_semaphore, #tpu.memory_space<semaphore_mem>>) src(%dma_wait3A_173 : memref<56x768xf32, #tpu.memory_space<vmem>>) dst(%dma_wait3A_169 : memref<56x768xf32, #tpu.memory_space<hbm>>)
    %dma_start3A_174 = arith.constant 1 : i32
    %dma_start3A_175 = arith.constant 0 : i32
    %dma_start3A_176 = arith.constant 0 : i32
    %dma_start3A_177 = tpu.memref_slice %arg6[%dma_start3A_174, %dma_start3A_175, %dma_start3A_176] : memref<3x56x768xf32, #tpu.memory_space<vmem>> -> memref<1x24x768xf32, #tpu.memory_space<vmem>>
    %dma_start3A_178 = tpu.memref_squeeze %dma_start3A_177 : memref<1x24x768xf32, #tpu.memory_space<vmem>> -> memref<24x768xf32, #tpu.memory_space<vmem>>
    %dma_start3A_179 = arith.constant 208 : i32
    %dma_start3A_180 = tpu.memref_slice %arg5[%dma_start3A_179] : memref<256xi32, #tpu.memory_space<vmem>> -> memref<24xi32, #tpu.memory_space<vmem>>
    %dma_start3A_181 = arith.constant 0 : i32
    %dma_start3A_182 = arith.constant 0 : i32
    %dma_start3A_183 = tpu.memref_slice %arg3[%dma_start3A_181, %dma_start3A_182] : memref<100000x768xf32, #tpu.memory_space<hbm>> -> memref<100000x768xf32, #tpu.memory_space<hbm>>
    tpu.enqueue_indirect_dma source(%dma_start3A_183 : memref<100000x768xf32, #tpu.memory_space<hbm>>) target(%dma_start3A_178 : memref<24x768xf32, #tpu.memory_space<vmem>>) offsets(%dma_start3A_180 : memref<24xi32, #tpu.memory_space<vmem>>) semaphore(%arg7 : memref<!tpu.dma_semaphore, #tpu.memory_space<semaphore_mem>>)
    %dma_wait3A_184 = arith.constant 0 : i32
    %dma_wait3A_185 = arith.constant 0 : i32
    %dma_wait3A_186 = arith.constant 0 : i32
    %dma_wait3A_187 = tpu.memref_slice %arg6[%dma_wait3A_184, %dma_wait3A_185, %dma_wait3A_186] : memref<3x56x768xf32, #tpu.memory_space<vmem>> -> memref<1x40x768xf32, #tpu.memory_space<vmem>>
    %dma_wait3A_188 = tpu.memref_squeeze %dma_wait3A_187 : memref<1x40x768xf32, #tpu.memory_space<vmem>> -> memref<40x768xf32, #tpu.memory_space<vmem>>
    %dma_wait3A_189 = arith.constant 168 : i32
    %dma_wait3A_190 = tpu.memref_slice %arg5[%dma_wait3A_189] : memref<256xi32, #tpu.memory_space<vmem>> -> memref<40xi32, #tpu.memory_space<vmem>>
    %dma_wait3A_191 = arith.constant 0 : i32
    %dma_wait3A_192 = arith.constant 0 : i32
    %dma_wait3A_193 = tpu.memref_slice %arg3[%dma_wait3A_191, %dma_wait3A_192] : memref<100000x768xf32, #tpu.memory_space<hbm>> -> memref<100000x768xf32, #tpu.memory_space<hbm>>
    tpu.wait_indirect_dma semaphore(%arg8 : memref<!tpu.dma_semaphore, #tpu.memory_space<semaphore_mem>>) src(%dma_wait3A_193 : memref<100000x768xf32, #tpu.memory_space<hbm>>) dst(%dma_wait3A_188 : memref<40x768xf32, #tpu.memory_space<vmem>>)
    %add3A_194 = arith.constant 168 : i32
    %add3A_195 = arith.addi %mul3A_2, %add3A_194 : i32
    %dma_start3A_196 = arith.constant 0 : i32
    %dma_start3A_197 = arith.constant 0 : i32
    %dma_start3A_198 = arith.constant 0 : i32
    %dma_start3A_199 = tpu.memref_slice %arg6[%dma_start3A_196, %dma_start3A_197, %dma_start3A_198] : memref<3x56x768xf32, #tpu.memory_space<vmem>> -> memref<1x40x768xf32, #tpu.memory_space<vmem>>
    %dma_start3A_200 = tpu.memref_squeeze %dma_start3A_199 : memref<1x40x768xf32, #tpu.memory_space<vmem>> -> memref<40x768xf32, #tpu.memory_space<vmem>>
    %dma_start3A_201 = arith.constant 0 : i32
    %dma_start3A_202 = tpu.memref_slice %arg4[%add3A_195, %dma_start3A_201] : memref<8192x768xf32, #tpu.memory_space<hbm>> -> memref<40x768xf32, #tpu.memory_space<hbm>>
    %dma_start3A_203 = arith.constant 0 : i32
    %dma_start3A_204 = tpu.memref_slice %arg4[%add3A_195, %dma_start3A_203] : memref<8192x768xf32, #tpu.memory_space<hbm>> -> memref<40x768xf32, #tpu.memory_space<hbm>>
    %dma_start3A_205 = arith.constant 0 : i32
    %dma_start3A_206 = arith.constant 0 : i32
    %dma_start3A_207 = tpu.memref_slice %arg6[%dma_start3A_196, %dma_start3A_205, %dma_start3A_206] : memref<3x56x768xf32, #tpu.memory_space<vmem>> -> memref<1x40x768xf32, #tpu.memory_space<vmem>>
    %dma_start3A_208 = tpu.memref_squeeze %dma_start3A_207 : memref<1x40x768xf32, #tpu.memory_space<vmem>> -> memref<40x768xf32, #tpu.memory_space<vmem>>
    tpu.enqueue_dma source(%dma_start3A_208 : memref<40x768xf32, #tpu.memory_space<vmem>>) target(%dma_start3A_204 : memref<40x768xf32, #tpu.memory_space<hbm>>) target_semaphore(%arg9 : memref<!tpu.dma_semaphore, #tpu.memory_space<semaphore_mem>>)
    %dma_wait3A_209 = arith.constant 2 : i32
    %dma_wait3A_210 = arith.constant 0 : i32
    %dma_wait3A_211 = arith.constant 0 : i32
    %dma_wait3A_212 = tpu.memref_slice %arg6[%dma_wait3A_209, %dma_wait3A_210, %dma_wait3A_211] : memref<3x56x768xf32, #tpu.memory_space<vmem>> -> memref<1x56x768xf32, #tpu.memory_space<vmem>>
    %dma_wait3A_213 = tpu.memref_squeeze %dma_wait3A_212 : memref<1x56x768xf32, #tpu.memory_space<vmem>> -> memref<56x768xf32, #tpu.memory_space<vmem>>
    %dma_wait3A_214 = arith.constant 0 : i32
    %dma_wait3A_215 = tpu.memref_slice %arg4[%add3A_147, %dma_wait3A_214] : memref<8192x768xf32, #tpu.memory_space<hbm>> -> memref<56x768xf32, #tpu.memory_space<hbm>>
    %dma_wait3A_216 = arith.constant 0 : i32
    %dma_wait3A_217 = tpu.memref_slice %arg4[%add3A_147, %dma_wait3A_216] : memref<8192x768xf32, #tpu.memory_space<hbm>> -> memref<56x768xf32, #tpu.memory_space<hbm>>
    %dma_wait3A_218 = arith.constant 0 : i32
    %dma_wait3A_219 = arith.constant 0 : i32
    %dma_wait3A_220 = tpu.memref_slice %arg6[%dma_wait3A_209, %dma_wait3A_218, %dma_wait3A_219] : memref<3x56x768xf32, #tpu.memory_space<vmem>> -> memref<1x56x768xf32, #tpu.memory_space<vmem>>
    %dma_wait3A_221 = tpu.memref_squeeze %dma_wait3A_220 : memref<1x56x768xf32, #tpu.memory_space<vmem>> -> memref<56x768xf32, #tpu.memory_space<vmem>>
    tpu.wait_dma2 semaphore(%arg11 : memref<!tpu.dma_semaphore, #tpu.memory_space<semaphore_mem>>) src(%dma_wait3A_221 : memref<56x768xf32, #tpu.memory_space<vmem>>) dst(%dma_wait3A_217 : memref<56x768xf32, #tpu.memory_space<hbm>>)
    %dma_start3A_222 = arith.constant 2 : i32
    %dma_start3A_223 = arith.constant 0 : i32
    %dma_start3A_224 = arith.constant 0 : i32
    %dma_start3A_225 = tpu.memref_slice %arg6[%dma_start3A_222, %dma_start3A_223, %dma_start3A_224] : memref<3x56x768xf32, #tpu.memory_space<vmem>> -> memref<1x16x768xf32, #tpu.memory_space<vmem>>
    %dma_start3A_226 = tpu.memref_squeeze %dma_start3A_225 : memref<1x16x768xf32, #tpu.memory_space<vmem>> -> memref<16x768xf32, #tpu.memory_space<vmem>>
    %dma_start3A_227 = arith.constant 232 : i32
    %dma_start3A_228 = tpu.memref_slice %arg5[%dma_start3A_227] : memref<256xi32, #tpu.memory_space<vmem>> -> memref<16xi32, #tpu.memory_space<vmem>>
    %dma_start3A_229 = arith.constant 0 : i32
    %dma_start3A_230 = arith.constant 0 : i32
    %dma_start3A_231 = tpu.memref_slice %arg3[%dma_start3A_229, %dma_start3A_230] : memref<100000x768xf32, #tpu.memory_space<hbm>> -> memref<100000x768xf32, #tpu.memory_space<hbm>>
    tpu.enqueue_indirect_dma source(%dma_start3A_231 : memref<100000x768xf32, #tpu.memory_space<hbm>>) target(%dma_start3A_226 : memref<16x768xf32, #tpu.memory_space<vmem>>) offsets(%dma_start3A_228 : memref<16xi32, #tpu.memory_space<vmem>>) semaphore(%arg8 : memref<!tpu.dma_semaphore, #tpu.memory_space<semaphore_mem>>)
    %dma_wait3A_232 = arith.constant 1 : i32
    %dma_wait3A_233 = arith.constant 0 : i32
    %dma_wait3A_234 = arith.constant 0 : i32
    %dma_wait3A_235 = tpu.memref_slice %arg6[%dma_wait3A_232, %dma_wait3A_233, %dma_wait3A_234] : memref<3x56x768xf32, #tpu.memory_space<vmem>> -> memref<1x24x768xf32, #tpu.memory_space<vmem>>
    %dma_wait3A_236 = tpu.memref_squeeze %dma_wait3A_235 : memref<1x24x768xf32, #tpu.memory_space<vmem>> -> memref<24x768xf32, #tpu.memory_space<vmem>>
    %dma_wait3A_237 = arith.constant 208 : i32
    %dma_wait3A_238 = tpu.memref_slice %arg5[%dma_wait3A_237] : memref<256xi32, #tpu.memory_space<vmem>> -> memref<24xi32, #tpu.memory_space<vmem>>
    %dma_wait3A_239 = arith.constant 0 : i32
    %dma_wait3A_240 = arith.constant 0 : i32
    %dma_wait3A_241 = tpu.memref_slice %arg3[%dma_wait3A_239, %dma_wait3A_240] : memref<100000x768xf32, #tpu.memory_space<hbm>> -> memref<100000x768xf32, #tpu.memory_space<hbm>>
    tpu.wait_indirect_dma semaphore(%arg7 : memref<!tpu.dma_semaphore, #tpu.memory_space<semaphore_mem>>) src(%dma_wait3A_241 : memref<100000x768xf32, #tpu.memory_space<hbm>>) dst(%dma_wait3A_236 : memref<24x768xf32, #tpu.memory_space<vmem>>)
    %add3A_242 = arith.constant 208 : i32
    %add3A_243 = arith.addi %mul3A_2, %add3A_242 : i32
    %dma_start3A_244 = arith.constant 1 : i32
    %dma_start3A_245 = arith.constant 0 : i32
    %dma_start3A_246 = arith.constant 0 : i32
    %dma_start3A_247 = tpu.memref_slice %arg6[%dma_start3A_244, %dma_start3A_245, %dma_start3A_246] : memref<3x56x768xf32, #tpu.memory_space<vmem>> -> memref<1x24x768xf32, #tpu.memory_space<vmem>>
    %dma_start3A_248 = tpu.memref_squeeze %dma_start3A_247 : memref<1x24x768xf32, #tpu.memory_space<vmem>> -> memref<24x768xf32, #tpu.memory_space<vmem>>
    %dma_start3A_249 = arith.constant 0 : i32
    %dma_start3A_250 = tpu.memref_slice %arg4[%add3A_243, %dma_start3A_249] : memref<8192x768xf32, #tpu.memory_space<hbm>> -> memref<24x768xf32, #tpu.memory_space<hbm>>
    %dma_start3A_251 = arith.constant 0 : i32
    %dma_start3A_252 = tpu.memref_slice %arg4[%add3A_243, %dma_start3A_251] : memref<8192x768xf32, #tpu.memory_space<hbm>> -> memref<24x768xf32, #tpu.memory_space<hbm>>
    %dma_start3A_253 = arith.constant 0 : i32
    %dma_start3A_254 = arith.constant 0 : i32
    %dma_start3A_255 = tpu.memref_slice %arg6[%dma_start3A_244, %dma_start3A_253, %dma_start3A_254] : memref<3x56x768xf32, #tpu.memory_space<vmem>> -> memref<1x24x768xf32, #tpu.memory_space<vmem>>
    %dma_start3A_256 = tpu.memref_squeeze %dma_start3A_255 : memref<1x24x768xf32, #tpu.memory_space<vmem>> -> memref<24x768xf32, #tpu.memory_space<vmem>>
    tpu.enqueue_dma source(%dma_start3A_256 : memref<24x768xf32, #tpu.memory_space<vmem>>) target(%dma_start3A_252 : memref<24x768xf32, #tpu.memory_space<hbm>>) target_semaphore(%arg10 : memref<!tpu.dma_semaphore, #tpu.memory_space<semaphore_mem>>)
    %dma_wait3A_257 = arith.constant 0 : i32
    %dma_wait3A_258 = arith.constant 0 : i32
    %dma_wait3A_259 = arith.constant 0 : i32
    %dma_wait3A_260 = tpu.memref_slice %arg6[%dma_wait3A_257, %dma_wait3A_258, %dma_wait3A_259] : memref<3x56x768xf32, #tpu.memory_space<vmem>> -> memref<1x40x768xf32, #tpu.memory_space<vmem>>
    %dma_wait3A_261 = tpu.memref_squeeze %dma_wait3A_260 : memref<1x40x768xf32, #tpu.memory_space<vmem>> -> memref<40x768xf32, #tpu.memory_space<vmem>>
    %dma_wait3A_262 = arith.constant 0 : i32
    %dma_wait3A_263 = tpu.memref_slice %arg4[%add3A_195, %dma_wait3A_262] : memref<8192x768xf32, #tpu.memory_space<hbm>> -> memref<40x768xf32, #tpu.memory_space<hbm>>
    %dma_wait3A_264 = arith.constant 0 : i32
    %dma_wait3A_265 = tpu.memref_slice %arg4[%add3A_195, %dma_wait3A_264] : memref<8192x768xf32, #tpu.memory_space<hbm>> -> memref<40x768xf32, #tpu.memory_space<hbm>>
    %dma_wait3A_266 = arith.constant 0 : i32
    %dma_wait3A_267 = arith.constant 0 : i32
    %dma_wait3A_268 = tpu.memref_slice %arg6[%dma_wait3A_257, %dma_wait3A_266, %dma_wait3A_267] : memref<3x56x768xf32, #tpu.memory_space<vmem>> -> memref<1x40x768xf32, #tpu.memory_space<vmem>>
    %dma_wait3A_269 = tpu.memref_squeeze %dma_wait3A_268 : memref<1x40x768xf32, #tpu.memory_space<vmem>> -> memref<40x768xf32, #tpu.memory_space<vmem>>
    tpu.wait_dma2 semaphore(%arg9 : memref<!tpu.dma_semaphore, #tpu.memory_space<semaphore_mem>>) src(%dma_wait3A_269 : memref<40x768xf32, #tpu.memory_space<vmem>>) dst(%dma_wait3A_265 : memref<40x768xf32, #tpu.memory_space<hbm>>)
    %dma_start3A_270 = arith.constant 0 : i32
    %dma_start3A_271 = arith.constant 0 : i32
    %dma_start3A_272 = arith.constant 0 : i32
    %dma_start3A_273 = tpu.memref_slice %arg6[%dma_start3A_270, %dma_start3A_271, %dma_start3A_272] : memref<3x56x768xf32, #tpu.memory_space<vmem>> -> memref<1x8x768xf32, #tpu.memory_space<vmem>>
    %dma_start3A_274 = tpu.memref_squeeze %dma_start3A_273 : memref<1x8x768xf32, #tpu.memory_space<vmem>> -> memref<8x768xf32, #tpu.memory_space<vmem>>
    %dma_start3A_275 = arith.constant 248 : i32
    %dma_start3A_276 = tpu.memref_slice %arg5[%dma_start3A_275] : memref<256xi32, #tpu.memory_space<vmem>> -> memref<8xi32, #tpu.memory_space<vmem>>
    %dma_start3A_277 = arith.constant 0 : i32
    %dma_start3A_278 = arith.constant 0 : i32
    %dma_start3A_279 = tpu.memref_slice %arg3[%dma_start3A_277, %dma_start3A_278] : memref<100000x768xf32, #tpu.memory_space<hbm>> -> memref<100000x768xf32, #tpu.memory_space<hbm>>
    tpu.enqueue_indirect_dma source(%dma_start3A_279 : memref<100000x768xf32, #tpu.memory_space<hbm>>) target(%dma_start3A_274 : memref<8x768xf32, #tpu.memory_space<vmem>>) offsets(%dma_start3A_276 : memref<8xi32, #tpu.memory_space<vmem>>) semaphore(%arg7 : memref<!tpu.dma_semaphore, #tpu.memory_space<semaphore_mem>>)
    %dma_wait3A_280 = arith.constant 2 : i32
    %dma_wait3A_281 = arith.constant 0 : i32
    %dma_wait3A_282 = arith.constant 0 : i32
    %dma_wait3A_283 = tpu.memref_slice %arg6[%dma_wait3A_280, %dma_wait3A_281, %dma_wait3A_282] : memref<3x56x768xf32, #tpu.memory_space<vmem>> -> memref<1x16x768xf32, #tpu.memory_space<vmem>>
    %dma_wait3A_284 = tpu.memref_squeeze %dma_wait3A_283 : memref<1x16x768xf32, #tpu.memory_space<vmem>> -> memref<16x768xf32, #tpu.memory_space<vmem>>
    %dma_wait3A_285 = arith.constant 232 : i32
    %dma_wait3A_286 = tpu.memref_slice %arg5[%dma_wait3A_285] : memref<256xi32, #tpu.memory_space<vmem>> -> memref<16xi32, #tpu.memory_space<vmem>>
    %dma_wait3A_287 = arith.constant 0 : i32
    %dma_wait3A_288 = arith.constant 0 : i32
    %dma_wait3A_289 = tpu.memref_slice %arg3[%dma_wait3A_287, %dma_wait3A_288] : memref<100000x768xf32, #tpu.memory_space<hbm>> -> memref<100000x768xf32, #tpu.memory_space<hbm>>
    tpu.wait_indirect_dma semaphore(%arg8 : memref<!tpu.dma_semaphore, #tpu.memory_space<semaphore_mem>>) src(%dma_wait3A_289 : memref<100000x768xf32, #tpu.memory_space<hbm>>) dst(%dma_wait3A_284 : memref<16x768xf32, #tpu.memory_space<vmem>>)
    %add3A_290 = arith.constant 232 : i32
    %add3A_291 = arith.addi %mul3A_2, %add3A_290 : i32
    %dma_start3A_292 = arith.constant 2 : i32
    %dma_start3A_293 = arith.constant 0 : i32
    %dma_start3A_294 = arith.constant 0 : i32
    %dma_start3A_295 = tpu.memref_slice %arg6[%dma_start3A_292, %dma_start3A_293, %dma_start3A_294] : memref<3x56x768xf32, #tpu.memory_space<vmem>> -> memref<1x16x768xf32, #tpu.memory_space<vmem>>
    %dma_start3A_296 = tpu.memref_squeeze %dma_start3A_295 : memref<1x16x768xf32, #tpu.memory_space<vmem>> -> memref<16x768xf32, #tpu.memory_space<vmem>>
    %dma_start3A_297 = arith.constant 0 : i32
    %dma_start3A_298 = tpu.memref_slice %arg4[%add3A_291, %dma_start3A_297] : memref<8192x768xf32, #tpu.memory_space<hbm>> -> memref<16x768xf32, #tpu.memory_space<hbm>>
    %dma_start3A_299 = arith.constant 0 : i32
    %dma_start3A_300 = tpu.memref_slice %arg4[%add3A_291, %dma_start3A_299] : memref<8192x768xf32, #tpu.memory_space<hbm>> -> memref<16x768xf32, #tpu.memory_space<hbm>>
    %dma_start3A_301 = arith.constant 0 : i32
    %dma_start3A_302 = arith.constant 0 : i32
    %dma_start3A_303 = tpu.memref_slice %arg6[%dma_start3A_292, %dma_start3A_301, %dma_start3A_302] : memref<3x56x768xf32, #tpu.memory_space<vmem>> -> memref<1x16x768xf32, #tpu.memory_space<vmem>>
    %dma_start3A_304 = tpu.memref_squeeze %dma_start3A_303 : memref<1x16x768xf32, #tpu.memory_space<vmem>> -> memref<16x768xf32, #tpu.memory_space<vmem>>
    tpu.enqueue_dma source(%dma_start3A_304 : memref<16x768xf32, #tpu.memory_space<vmem>>) target(%dma_start3A_300 : memref<16x768xf32, #tpu.memory_space<hbm>>) target_semaphore(%arg11 : memref<!tpu.dma_semaphore, #tpu.memory_space<semaphore_mem>>)
    %dma_wait3A_305 = arith.constant 0 : i32
    %dma_wait3A_306 = arith.constant 0 : i32
    %dma_wait3A_307 = arith.constant 0 : i32
    %dma_wait3A_308 = tpu.memref_slice %arg6[%dma_wait3A_305, %dma_wait3A_306, %dma_wait3A_307] : memref<3x56x768xf32, #tpu.memory_space<vmem>> -> memref<1x8x768xf32, #tpu.memory_space<vmem>>
    %dma_wait3A_309 = tpu.memref_squeeze %dma_wait3A_308 : memref<1x8x768xf32, #tpu.memory_space<vmem>> -> memref<8x768xf32, #tpu.memory_space<vmem>>
    %dma_wait3A_310 = arith.constant 248 : i32
    %dma_wait3A_311 = tpu.memref_slice %arg5[%dma_wait3A_310] : memref<256xi32, #tpu.memory_space<vmem>> -> memref<8xi32, #tpu.memory_space<vmem>>
    %dma_wait3A_312 = arith.constant 0 : i32
    %dma_wait3A_313 = arith.constant 0 : i32
    %dma_wait3A_314 = tpu.memref_slice %arg3[%dma_wait3A_312, %dma_wait3A_313] : memref<100000x768xf32, #tpu.memory_space<hbm>> -> memref<100000x768xf32, #tpu.memory_space<hbm>>
    tpu.wait_indirect_dma semaphore(%arg7 : memref<!tpu.dma_semaphore, #tpu.memory_space<semaphore_mem>>) src(%dma_wait3A_314 : memref<100000x768xf32, #tpu.memory_space<hbm>>) dst(%dma_wait3A_309 : memref<8x768xf32, #tpu.memory_space<vmem>>)
    %add3A_315 = arith.constant 248 : i32
    %add3A_316 = arith.addi %mul3A_2, %add3A_315 : i32
    %dma_start3A_317 = arith.constant 0 : i32
    %dma_start3A_318 = arith.constant 0 : i32
    %dma_start3A_319 = arith.constant 0 : i32
    %dma_start3A_320 = tpu.memref_slice %arg6[%dma_start3A_317, %dma_start3A_318, %dma_start3A_319] : memref<3x56x768xf32, #tpu.memory_space<vmem>> -> memref<1x8x768xf32, #tpu.memory_space<vmem>>
    %dma_start3A_321 = tpu.memref_squeeze %dma_start3A_320 : memref<1x8x768xf32, #tpu.memory_space<vmem>> -> memref<8x768xf32, #tpu.memory_space<vmem>>
    %dma_start3A_322 = arith.constant 0 : i32
    %dma_start3A_323 = tpu.memref_slice %arg4[%add3A_316, %dma_start3A_322] : memref<8192x768xf32, #tpu.memory_space<hbm>> -> memref<8x768xf32, #tpu.memory_space<hbm>>
    %dma_start3A_324 = arith.constant 0 : i32
    %dma_start3A_325 = tpu.memref_slice %arg4[%add3A_316, %dma_start3A_324] : memref<8192x768xf32, #tpu.memory_space<hbm>> -> memref<8x768xf32, #tpu.memory_space<hbm>>
    %dma_start3A_326 = arith.constant 0 : i32
    %dma_start3A_327 = arith.constant 0 : i32
    %dma_start3A_328 = tpu.memref_slice %arg6[%dma_start3A_317, %dma_start3A_326, %dma_start3A_327] : memref<3x56x768xf32, #tpu.memory_space<vmem>> -> memref<1x8x768xf32, #tpu.memory_space<vmem>>
    %dma_start3A_329 = tpu.memref_squeeze %dma_start3A_328 : memref<1x8x768xf32, #tpu.memory_space<vmem>> -> memref<8x768xf32, #tpu.memory_space<vmem>>
    tpu.enqueue_dma source(%dma_start3A_329 : memref<8x768xf32, #tpu.memory_space<vmem>>) target(%dma_start3A_325 : memref<8x768xf32, #tpu.memory_space<hbm>>) target_semaphore(%arg9 : memref<!tpu.dma_semaphore, #tpu.memory_space<semaphore_mem>>)
    %dma_wait3A_330 = arith.constant 1 : i32
    %dma_wait3A_331 = arith.constant 0 : i32
    %dma_wait3A_332 = arith.constant 0 : i32
    %dma_wait3A_333 = tpu.memref_slice %arg6[%dma_wait3A_330, %dma_wait3A_331, %dma_wait3A_332] : memref<3x56x768xf32, #tpu.memory_space<vmem>> -> memref<1x24x768xf32, #tpu.memory_space<vmem>>
    %dma_wait3A_334 = tpu.memref_squeeze %dma_wait3A_333 : memref<1x24x768xf32, #tpu.memory_space<vmem>> -> memref<24x768xf32, #tpu.memory_space<vmem>>
    %dma_wait3A_335 = arith.constant 0 : i32
    %dma_wait3A_336 = tpu.memref_slice %arg4[%add3A_243, %dma_wait3A_335] : memref<8192x768xf32, #tpu.memory_space<hbm>> -> memref<24x768xf32, #tpu.memory_space<hbm>>
    %dma_wait3A_337 = arith.constant 0 : i32
    %dma_wait3A_338 = tpu.memref_slice %arg4[%add3A_243, %dma_wait3A_337] : memref<8192x768xf32, #tpu.memory_space<hbm>> -> memref<24x768xf32, #tpu.memory_space<hbm>>
    %dma_wait3A_339 = arith.constant 0 : i32
    %dma_wait3A_340 = arith.constant 0 : i32
    %dma_wait3A_341 = tpu.memref_slice %arg6[%dma_wait3A_330, %dma_wait3A_339, %dma_wait3A_340] : memref<3x56x768xf32, #tpu.memory_space<vmem>> -> memref<1x24x768xf32, #tpu.memory_space<vmem>>
    %dma_wait3A_342 = tpu.memref_squeeze %dma_wait3A_341 : memref<1x24x768xf32, #tpu.memory_space<vmem>> -> memref<24x768xf32, #tpu.memory_space<vmem>>
    tpu.wait_dma2 semaphore(%arg10 : memref<!tpu.dma_semaphore, #tpu.memory_space<semaphore_mem>>) src(%dma_wait3A_342 : memref<24x768xf32, #tpu.memory_space<vmem>>) dst(%dma_wait3A_338 : memref<24x768xf32, #tpu.memory_space<hbm>>)
    %dma_wait3A_343 = arith.constant 2 : i32
    %dma_wait3A_344 = arith.constant 0 : i32
    %dma_wait3A_345 = arith.constant 0 : i32
    %dma_wait3A_346 = tpu.memref_slice %arg6[%dma_wait3A_343, %dma_wait3A_344, %dma_wait3A_345] : memref<3x56x768xf32, #tpu.memory_space<vmem>> -> memref<1x16x768xf32, #tpu.memory_space<vmem>>
    %dma_wait3A_347 = tpu.memref_squeeze %dma_wait3A_346 : memref<1x16x768xf32, #tpu.memory_space<vmem>> -> memref<16x768xf32, #tpu.memory_space<vmem>>
    %dma_wait3A_348 = arith.constant 0 : i32
    %dma_wait3A_349 = tpu.memref_slice %arg4[%add3A_291, %dma_wait3A_348] : memref<8192x768xf32, #tpu.memory_space<hbm>> -> memref<16x768xf32, #tpu.memory_space<hbm>>
    %dma_wait3A_350 = arith.constant 0 : i32
    %dma_wait3A_351 = tpu.memref_slice %arg4[%add3A_291, %dma_wait3A_350] : memref<8192x768xf32, #tpu.memory_space<hbm>> -> memref<16x768xf32, #tpu.memory_space<hbm>>
    %dma_wait3A_352 = arith.constant 0 : i32
    %dma_wait3A_353 = arith.constant 0 : i32
    %dma_wait3A_354 = tpu.memref_slice %arg6[%dma_wait3A_343, %dma_wait3A_352, %dma_wait3A_353] : memref<3x56x768xf32, #tpu.memory_space<vmem>> -> memref<1x16x768xf32, #tpu.memory_space<vmem>>
    %dma_wait3A_355 = tpu.memref_squeeze %dma_wait3A_354 : memref<1x16x768xf32, #tpu.memory_space<vmem>> -> memref<16x768xf32, #tpu.memory_space<vmem>>
    tpu.wait_dma2 semaphore(%arg11 : memref<!tpu.dma_semaphore, #tpu.memory_space<semaphore_mem>>) src(%dma_wait3A_355 : memref<16x768xf32, #tpu.memory_space<vmem>>) dst(%dma_wait3A_351 : memref<16x768xf32, #tpu.memory_space<hbm>>)
    %dma_wait3A_356 = arith.constant 0 : i32
    %dma_wait3A_357 = arith.constant 0 : i32
    %dma_wait3A_358 = arith.constant 0 : i32
    %dma_wait3A_359 = tpu.memref_slice %arg6[%dma_wait3A_356, %dma_wait3A_357, %dma_wait3A_358] : memref<3x56x768xf32, #tpu.memory_space<vmem>> -> memref<1x8x768xf32, #tpu.memory_space<vmem>>
    %dma_wait3A_360 = tpu.memref_squeeze %dma_wait3A_359 : memref<1x8x768xf32, #tpu.memory_space<vmem>> -> memref<8x768xf32, #tpu.memory_space<vmem>>
    %dma_wait3A_361 = arith.constant 0 : i32
    %dma_wait3A_362 = tpu.memref_slice %arg4[%add3A_316, %dma_wait3A_361] : memref<8192x768xf32, #tpu.memory_space<hbm>> -> memref<8x768xf32, #tpu.memory_space<hbm>>
    %dma_wait3A_363 = arith.constant 0 : i32
    %dma_wait3A_364 = tpu.memref_slice %arg4[%add3A_316, %dma_wait3A_363] : memref<8192x768xf32, #tpu.memory_space<hbm>> -> memref<8x768xf32, #tpu.memory_space<hbm>>
    %dma_wait3A_365 = arith.constant 0 : i32
    %dma_wait3A_366 = arith.constant 0 : i32
    %dma_wait3A_367 = tpu.memref_slice %arg6[%dma_wait3A_356, %dma_wait3A_365, %dma_wait3A_366] : memref<3x56x768xf32, #tpu.memory_space<vmem>> -> memref<1x8x768xf32, #tpu.memory_space<vmem>>
    %dma_wait3A_368 = tpu.memref_squeeze %dma_wait3A_367 : memref<1x8x768xf32, #tpu.memory_space<vmem>> -> memref<8x768xf32, #tpu.memory_space<vmem>>
    tpu.wait_dma2 semaphore(%arg9 : memref<!tpu.dma_semaphore, #tpu.memory_space<semaphore_mem>>) src(%dma_wait3A_368 : memref<8x768xf32, #tpu.memory_space<vmem>>) dst(%dma_wait3A_364 : memref<8x768xf32, #tpu.memory_space<hbm>>)
    return
  }
}

</mosaic_0001>

<sc_bundles>
// kernel: kernel.3.cloned.1.call-start
scs
__scs_entry_jumppad:
0x0: {  	(pc) =	sbr.rel $0x88, $3  }
0x1: {  	(tag) =	ssettag $0x0;
	lr =	simm.s32 $0x1  }
0x2: {  	[smem:$0x3F9F] =	sst lr;
	_ =	strace $0xD0000000  }
0x3: {  	_ = 	snop  }
0x4: {  	_ = 	snop  }
0x5: {  	_ = 	snop  }
0x6: {  	_ = 	snop  }
0x7: {  	_ = 	snop  }
__scs_overlays_trampoline_lowered:
0x8: {  	[smem:$0x3FAE] =	sst s0  }
0x9: {  	[smem:$0x3FAF] =	sst s1  }
0xa: {  	[smem:$0x3FB0] =	sst s2  }
0xb: {  	[smem:$0x3FB1] =	sst s3  }
0xc: {  	[smem:$0x3FB2] =	sst s4  }
0xd: {  	[smem:$0x3FB3] =	sst s5  }
0xe: {  	[smem:$0x3FB4] =	sst s6  }
0xf: {  	[smem:$0x3FB5] =	sst s7  }
0x10: {  	[smem:$0x3FB6] =	sst s8  }
0x11: {  	[smem:$0x3FB7] =	sst s9;
	s0 =	simm.s32 @!p0 $0x0  }
0x12: {  	s1 =	sld [smem:$0x3F9D];
	s0 =	simm.s32 @p0 $0x1  }
0x13: {  	[smem:$0x3FB8] =	sst s0;
	s0 =	simm.s32 @!p1 $0x0  }
0x14: {  	s2 =	sld [smem:$0x3F9C];
	s0 =	simm.s32 @p1 $0x1  }
0x15: {  	[smem:$0x3FB9] =	sst s0;
	s0 =	simm.s32 @!p2 $0x0  }
0x16: {  	s3 =	sld [smem:$0x3FDB];
	s0 =	simm.s32 @p2 $0x1  }
0x17: {  	s4 =	simm.s32 $0x1BF5;
	[smem:$0x3FBB] =	sst s0  }
0x18: {  	s0 =	sld [smem:$0x3F9E];
	_ =	swait.ge [sflag:s4], $0x0  }
0x19: {  	s7 =	sld [smem:$0x3F9F]  }
0x1a: {  	s8 =	sadd.s32 $0xFFFFE003, lr  }
0x1b: {  	s9 =	sadd.s32 $0xFFFFFEF7, lr;
	s5 =	simm.s32 $0xFFFFFFFF;
	p2 =	slt.u32 s8, $0xFFFFF086  }
0x1c: {  	p1 =	slt.u32 s9, $0xF7A;
	s5 =	simm.s32 @!p2 $0x0  }
0x1d: {  	s5 =	simm.s32 @p1 $0x1;
	p0 =	seq.s32 s7, s2  }
0x1e: {  	s7 =	smul.u32 @!p0 $0xF7A, s2;
	p2 =	seq.s32 @!p0 s5, $0x0  }
0x1f: {  	s9 =	smul.u32 $0xF7A, s1;
	s8 =	simm.s32 @!p0 $0x1BF5;
	p2 =	por !p2, p0  }
0x20: {  	[sflag:s8] =	ssyncset.s32 @!p0 $0xFFFFF086;
	s6 =	sadd.s32 @!p0 s3, s7;
	s7 =	simm.s32 @!p0 $0x108  }
0x21: {  	s3 =	sadd.s32 s3, s9;
	s6 =	sadd.s32 @!p0 $0x88, s6;
	s7 =	simm.s32 @p2 $0x1082  }
0x22: {  	[simem:s7], [sflag:s8] =	dma.local @!p0 [hbm:s6], $0xF7A  }
0x23: {  	s9 =	sor.u32 $0xD0000000, s2;
	s6 =	simm.s32 $0x108;
	_ =	swait.ge @!p0 [sflag:s8], $0x0  }
0x24: {  	s3 =	sadd.s32 $0x88, s3;
	s6 =	simm.s32 @!p1 $0x1082;
	[sflag:s4] =	ssyncset.s32 $0xFFFFF086  }
0x25: {  	[simem:s6], [sflag:s4] =	dma.local [hbm:s3], $0xF7A  }
0x26: {  	[smem:$0x3F9F] =	sst s1;
	(tag) =	ssettag s2;
	_ =	strace s9  }
0x27: {  	s1 =	sld [smem:$0x3FAF]  }
0x28: {  	s2 =	sld [smem:$0x3FB0]  }
0x29: {  	s4 =	sld [smem:$0x3FB2]  }
0x2a: {  	p0 =	seq.s32 s5, $0x0;
	s5 =	sld [smem:$0x3FB3]  }
0x2b: {  	s6 =	sld [smem:$0x3FB4]  }
0x2c: {  	s7 =	sld [smem:$0x3FB5]  }
0x2d: {  	s3 =	simm.s32 $0x108;
	s8 =	sld [smem:$0x3FB6]  }
0x2e: {  	s3 =	simm.s32 @!p0 $0x1082;
	s9 =	sld [smem:$0x3FB7]  }
0x2f: {  	lr =	sadd.s32 s0, s3;
	s0 =	sld [smem:$0x3FAE]  }
0x30: {  	s3 =	sld [smem:$0x3FB1]  }
0x31: {  	[smem:$0x3FBA] =	sst s10  }
0x32: {  	s10 =	sld [smem:$0x3FB8];
	_ =	sdelay $0x3  }
0x33: {  	p0 =	seq.s32 s10, $0x1;
	s10 =	sld [smem:$0x3FBA];
	_ =	sdelay $0x3  }
0x34: {  	[smem:$0x3FBA] =	sst s10  }
0x35: {  	s10 =	sld [smem:$0x3FB9];
	_ =	sdelay $0x3  }
0x36: {  	p1 =	seq.s32 s10, $0x1;
	s10 =	sld [smem:$0x3FBA];
	_ =	sdelay $0x3  }
0x37: {  	[smem:$0x3FBA] =	sst s10  }
0x38: {  	s10 =	sld [smem:$0x3FBB]  }
0x39: {  	_ = 	snop;
	(pc) =	sbr.ind lr, $3  }
0x3a: {  	_ = 	snop  }
0x3b: {  	_ = 	snop  }
0x3c: {  	p2 =	seq.s32 s10, $0x1;
	s10 =	sld [smem:$0x3FBA]  }
0x3d: {  	_ =	shalt  }
0x3e: {  	_ =	shalt  }
0x3f: {  	_ =	shalt  }
0x40: {  	_ =	shalt  }
0x41: {  	_ =	shalt  }
0x42: {  	_ =	shalt  }
0x43: {  	_ =	shalt  }
0x44: {  	_ =	shalt  }
0x45: {  	_ =	shalt  }
0x46: {  	_ =	shalt  }
0x47: {  	_ =	shalt  }
0x48: {  	_ =	shalt  }
0x49: {  	_ =	shalt  }
0x4a: {  	_ =	shalt  }
0x4b: {  	_ =	shalt  }
0x4c: {  	_ =	shalt  }
0x4d: {  	_ =	shalt  }
0x4e: {  	_ =	shalt  }
0x4f: {  	_ =	shalt  }
0x50: {  	_ =	shalt  }
0x51: {  	_ =	shalt  }
0x52: {  	_ =	shalt  }
0x53: {  	_ =	shalt  }
0x54: {  	_ =	shalt  }
0x55: {  	_ =	shalt  }
0x56: {  	_ =	shalt  }
0x57: {  	_ =	shalt  }
0x58: {  	_ =	shalt  }
0x59: {  	_ =	shalt  }
0x5a: {  	_ =	shalt  }
0x5b: {  	_ =	shalt  }
0x5c: {  	_ =	shalt  }
0x5d: {  	_ =	shalt  }
0x5e: {  	_ =	shalt  }
0x5f: {  	_ =	shalt  }
0x60: {  	_ =	shalt  }
0x61: {  	_ =	shalt  }
0x62: {  	_ =	shalt  }
0x63: {  	_ =	shalt  }
0x64: {  	_ =	shalt  }
0x65: {  	_ =	shalt  }
0x66: {  	_ =	shalt  }
0x67: {  	_ =	shalt  }
0x68: {  	_ =	shalt  }
0x69: {  	_ =	shalt  }
0x6a: {  	_ =	shalt  }
0x6b: {  	_ =	shalt  }
0x6c: {  	_ =	shalt  }
0x6d: {  	_ =	shalt  }
0x6e: {  	_ =	shalt  }
0x6f: {  	_ =	shalt  }
0x70: {  	_ =	shalt  }
0x71: {  	_ =	shalt  }
0x72: {  	_ =	shalt  }
0x73: {  	_ =	shalt  }
0x74: {  	_ =	shalt  }
0x75: {  	_ =	shalt  }
0x76: {  	_ =	shalt  }
0x77: {  	_ =	shalt  }
0x78: {  	_ =	shalt  }
0x79: {  	_ =	shalt  }
0x7a: {  	_ =	shalt  }
0x7b: {  	_ =	shalt  }
0x7c: {  	_ =	shalt  }
0x7d: {  	_ =	shalt  }
0x7e: {  	_ =	shalt  }
0x7f: {  	_ =	shalt  }
0x80: {  	_ =	shalt  }
0x81: {  	_ =	shalt  }
0x82: {  	_ =	shalt  }
0x83: {  	_ =	shalt  }
0x84: {  	_ =	shalt  }
0x85: {  	_ =	shalt  }
0x86: {  	_ =	shalt  }
0x87: {  	_ =	shalt  }
.Lfunc_end0:
.L_simem_size_0:
called_computation_lowered:
.L_overlay_start_0:
0x88: {  	s2 =	sld [smem:$0x3FD9]  }
0x89: {  	s3 =	sld [smem:$0x3FFE];
	_ =	sdelay $0x1  }
0x8a: {  	s1 =	srdreg.scid  }
0x8b: {  	s0 =	sand.u32 $0x1, s1  }
0x8c: {  	s18 =	sshll.u32 s0, $0xA;
	s2 =	sadd.s32 s3, s2  }
0x8d: {  	s2 =	sadd.s32 s2, s18  }
0x8e: {  	[smem:$0x3FC6] =	sst s2  }
0x8f: {  	_ = 	snop  }
0x90: {  	s2 =	sld [smem:$0x3FC9]  }
0x91: {  	s19 =	sld [smem:$0x3FC8]  }
0x92: {  	s4 =	sld [smem:$0x3FD0];
	(tm) =	ssettm $0x1  }
0x93: {  	s5 =	sld [smem:$0x3FFB];
	_ =	sdelay $0x3  }
0x94: {  	_ =	strace s5  }
0x95: {  	s5 =	sld [smem:$0x3FFC];
	_ =	sdelay $0x3  }
0x96: {  	_ =	strace s5  }
0x97: {  	s5 =	sld [smem:$0x3FFD];
	_ =	sdelay $0x3  }
0x98: {  	_ =	strace s5  }
0x99: {  	_ =	strace $0x8FFFFFFF  }
0x9a: {  	s20 =	sld [smem:$0x3FDB];
	_ =	sdelay $0x1  }
0x9b: {  	s6 =	simm.s32 $_scs_section_size  }
0x9c: {  	s7 =	simm.s32 $_size__tile_overlayer_lowered;
	s8 =	simm.s32 $_tile_overlayer_lowered  }
0x9d: {  	s23 =	simm.s32 $0x1BFF;
	s22 =	sshll.u32 s8, $0x1;
	s5 =	sadd.s32 s6, s20  }
0x9e: {  	s9 =	simm.s32 $0x0;
	s21 =	sshll.u32 s7, $0x1;
	s7 =	sadd.s32 s22, s5  }
0x9f: {  	[timem:s9], [sflag:s23] =	dma.local [hbm:s7], s21  }
0xa0: {  	_ =	swait.ge [sflag:s23], s21  }
0xa1: {  	s6 =	ssub.s32 $0x0, s21;
	[sflag:s23] =	ssyncset.done $0x0  }
0xa2: {  	[sflag:s23] =	ssyncadd.s32 s6;
	_ =	sdelay $0x1  }
0xa3: {  	s24 =	simm.s32 $0x1B8B  }
0xa4: {  	_ =	swait.ge [sflag:s24], $0x1  }
0xa5: {  	[sflag:s24] =	ssyncset.done $0x0  }
0xa6: {  	s25 =	simm.s32 $0x1B8E;
	[sflag:s24] =	ssyncadd.s32 $0xFFFFFFFF  }
0xa7: {  	s26 =	simm.s32 $execute0_lowered;
	[smem:$0x3FD2] =	sst s25  }
0xa8: {  	s6 =	sshll.u32 s26, $0x1;
	_ =	strace $0x80000046;
	[dreg:$0x1] =	wrdreg $0xFFFFFFFF  }
0xa9: {  	s28 =	simm.s32 $_size_execute0_lowered;
	s5 =	sadd.s32 s5, s6;
	[dreg:$0x0] =	wrdreg $0x0  }
0xaa: {  	s6 =	sshll.u32 s28, $0x1;
	[dreg:$0x2] =	wrdreg s5  }
0xab: {  	[dreg:$0x3] =	wrdreg s6  }
0xac: {  	[dreg:$0x4] =	wrdreg $0xC0  }
0xad: {  	_ =	task [dreg:s9], $0x5FFFF  }
0xae: {  	[dreg:$0x1] =	wrdreg $0xFFFFFFFF  }
0xaf: {  	[dreg:$0x0] =	wrdreg $0x60  }
0xb0: {  	[dreg:$0x2] =	wrdreg s2  }
0xb1: {  	[dreg:$0x3] =	wrdreg s19  }
0xb2: {  	[dreg:$0x4] =	wrdreg s4  }
0xb3: {  	[dreg:$0x5] =	wrdreg $0x9  }
0xb4: {  	_ =	task.clear_ibuf [dreg:s9], $0x6FFFF;
	_ =	strace $0x90000046  }
0xb5: {  	s29 =	simm.s32 $0x9;
	_ =	strace $0x80000048  }
0xb6: {  	_ =	swait.ge [sflag:s29], $0x1  }
0xb7: {  	[sflag:s29] =	ssyncadd.s32 $0xFFFFFFFF  }
0xb8: {  	_ =	strace $0x90000048  }
0xb9: {  	_ =	sfence  }
0xba: {  	s30 =	sld [smem:$0x0];
	_ =	sdelay $0x2  }
0xbb: {  	s31 =	sshll.u32 s1, $0xD;
	s1 =	sshrl.u32 s1, $0x2  }
0xbc: {  	s3 =	sand.u32 $0x4000, s31;
	s1 =	sadd.s32 s1, s30  }
0xbd: {  	s0 =	sor.u32 s3, s0;
	s1 =	sshll.u32 s1, $0x11  }
0xbe: {  	s0 =	sor.u32 s1, s0  }
0xbf: {  	s0 =	sadd.s32 $0x8F2B, s0  }
0xc0: {  	[sflag:s0] =	ssyncadd.remote.s32 $0x1  }
0xc1: {  	_ =	sfence.sel $0xFFFF  }
0xc2: {  	[dreg:$0x0] =	wrdreg $0xFFFFFFFF;
	(pc) =	sbr.abs _section_cstart, $3  }
0xc3: {  	[dreg:$0x1] =	wrdreg $0xFFFFFFFF  }
0xc4: {  	_ =	task.clear_ibuf [dreg:s9], $0x2FFFF;
	_ =	strace $0x9FFFFFFF  }
0xc5: {  	(tm) =	ssettm $0x7FFFFFFF  }
tec
execute0_lowered:
.L_overlay_start_1:
0x0: {  	(tag) =	ssettag $0x1  }
0x1: {  	s0 =	rddreg [dreg:$0x0]  }
0x2: {  	s2 =	rddreg [dreg:$0x1]  }
0x3: {  	s4 =	rddreg [dreg:$0x2];
	s3 =	simm.s32 $0x0  }
0x4: {  	s12 =	simm.s32 $0x80;
	[smem:$0x7FF] =	sst s3  }
0x5: {  	s13 =	simm.s32 $0x200;
	_ =	strace $0x80000047;
	[dreg:$0xb] =	wrdreg s12  }
0x6: {  	s14 =	simm.s32 $0x7900;
	[dreg:$0xc] =	wrdreg s13  }
0x7: {  	s15 =	simm.s32 $0x8100;
	[dreg:$0xd] =	wrdreg s14  }
0x8: {  	s16 =	simm.s32 $0x8900;
	[dreg:$0xe] =	wrdreg s15  }
0x9: {  	s17 =	simm.s32 $0x9100;
	[dreg:$0xf] =	wrdreg s16  }
0xa: {  	s18 =	simm.s32 $0x9900;
	[dreg:$0x10] =	wrdreg s17  }
0xb: {  	s19 =	simm.s32 $0xA100;
	[dreg:$0x11] =	wrdreg s18  }
0xc: {  	s20 =	simm.s32 $0xF100;
	[dreg:$0x12] =	wrdreg s19  }
0xd: {  	s1 =	srdreg.scid;
	s21 =	simm.s32 $0xF900;
	[dreg:$0x13] =	wrdreg s20  }
0xe: {  	s6 =	stileid.u32;
	s22 =	simm.s32 $0x10100;
	[dreg:$0x14] =	wrdreg s21  }
0xf: {  	s23 =	simm.s32 $0x10900;
	s24 =	simm.s32 $0x11100;
	[dreg:$0x15] =	wrdreg s22  }
0x10: {  	s28 =	simm.s32 $0x16100;
	s29 =	simm.s32 $0x16900;
	[dreg:$0x16] =	wrdreg s23  }
0x11: {  	s30 =	simm.s32 $0x17100;
	[dreg:$0x17] =	wrdreg s24;
	s12 =	simm.s32 $0x18900  }
0x12: {  	s31 =	simm.s32 $0x17900;
	s13 =	simm.s32 $0x19100;
	[smem:$0x7F0] =	sst s12  }
0x13: {  	s1 =	sand.u32 $0x1, s1;
	s14 =	simm.s32 $0x19900;
	[smem:$0x7F1] =	sst s13  }
0x14: {  	s5 =	sshll.u32 s6, $0x1;
	s16 =	simm.s32 $0x1A100;
	[smem:$0x7F2] =	sst s14  }
0x15: {  	s6 =	sshll.u32 s6, $0x2;
	s17 =	simm.s32 $0x1A900;
	[smem:$0x7F3] =	sst s16  }
0x16: {  	s5 =	sor.u32 s1, s5;
	s18 =	simm.s32 $0x1B100;
	[smem:$0x7F4] =	sst s17  }
0x17: {  	s6 =	sand.u32 $0x30, s6;
	s19 =	simm.s32 $0x1B900;
	[smem:$0x7F5] =	sst s18  }
0x18: {  	s1 =	ssub.s32 $0x2, s1;
	s20 =	simm.s32 $0x1C100;
	[smem:$0x7F6] =	sst s19  }
0x19: {  	s15 =	simm.s32 $0x100;
	s21 =	simm.s32 $0x1C900;
	[smem:$0x7F7] =	sst s20  }
0x1a: {  	s22 =	simm.s32 $0x1D100;
	s23 =	simm.s32 $0x1D900;
	[smem:$0x7F8] =	sst s21  }
0x1b: {  	s24 =	simm.s32 $0x1E100;
	s7 =	smul.u32 $0x6000, s5;
	[smem:$0x7F9] =	sst s22  }
0x1c: {  	s8 =	sshll.u32 s5, $0x7;
	s5 =	smul.u32 $0x30000, s5;
	[smem:$0x7FA] =	sst s23  }
0x1d: {  	s0 =	sadd.s32 s0, s6;
	[smem:$0x7FB] =	sst s24;
	s25 =	sand.u32 $0x380, s8  }
0x1e: {  	s18 =	simm.s32 $0x2;
	s19 =	simm.s32 $0x3;
	s0 =	sadd.s32 s25, s0  }
0x1f: {  	s20 =	simm.s32 $0x4;
	s26 =	sadd.s32 s4, s7;
	[dreg:$0x4] =	wrdreg s0  }
0x20: {  	s21 =	simm.s32 $0x5;
	s25 =	simm.s32 $0x11900;
	[smem:$0x7EF] =	sst s26  }
0x21: {  	s5 =	sshrl.u32 s5, $0x3;
	s6 =	sadd.s32 $0x1500, s26;
	[dreg:$0x18] =	wrdreg s25  }
0x22: {  	s4 =	sadd.s32 s4, s5;
	s5 =	simm.s32 $0x12100;
	[dreg:$0x5] =	wrdreg s6  }
0x23: {  	s16 =	simm.s32 $0x7100;
	s25 =	simm.s32 $0x1E900;
	[dreg:$0x19] =	wrdreg s5  }
0x24: {  	s12 =	simm.s32 $0xA900;
	s7 =	sadd.s32 $0x2A00, s4;
	[smem:$0x7FC] =	sst s25  }
0x25: {  	s17 =	simm.s32 $0xB100;
	s8 =	sadd.s32 $0x3F00, s4;
	[dreg:$0x6] =	wrdreg s7  }
0x26: {  	s13 =	simm.s32 $0xE900;
	s9 =	sadd.s32 $0x4E00, s4;
	[dreg:$0x7] =	wrdreg s8  }
0x27: {  	s24 =	simm.s32 $0x15100;
	s10 =	sadd.s32 $0x5700, s4;
	[dreg:$0x8] =	wrdreg s9  }
0x28: {  	s14 =	simm.s32 $0x1100;
	s11 =	sadd.s32 $0x5D00, s4;
	[dreg:$0x9] =	wrdreg s10  }
0x29: {  	s26 =	sshrl.u32 s1, $0x1;
	s6 =	simm.s32 $0x12900;
	[dreg:$0xa] =	wrdreg s11  }
0x2a: {  	s1 =	ssub.s32 s1, s26;
	s26 =	simm.s32 $0x1F100;
	[dreg:$0x1a] =	wrdreg s6  }
0x2b: {  	s5 =	sadd.s32 $0x100, s2;
	s7 =	simm.s32 $0x13100;
	[smem:$0x7FD] =	sst s26  }
0x2c: {  	s4 =	simm.s32 $0x1;
	s8 =	simm.s32 $0x13900;
	[dreg:$0x1b] =	wrdreg s7  }
0x2d: {  	s6 =	sadd.s32 $0x200, s2;
	s9 =	simm.s32 $0x14100;
	[dreg:$0x1c] =	wrdreg s8  }
0x2e: {  	s10 =	simm.s32 $0x14900;
	s11 =	simm.s32 $0x18100;
	[dreg:$0x1d] =	wrdreg s9  }
0x2f: {  	v2 =	vlaneseq.u32;
	s26 =	simm.s32 $0x15900;
	s7 =	smax.u32 s1, $0x1;
	[dreg:$0x1e] =	wrdreg s10  }
0x30: {  	vm0 =	vmmov $0xffff;
	v1 =	vshrl.u32 v2, $0x3;
	[dreg:$0x1f] =	wrdreg s11;
	s8 =	simm.s32 $0xB900;
	s10 =	simm.s32 $0xC100  }
0x31: {  	v0 =	vand.u32 $0x7, v2;
	v2 =	vor.u32 $0x8, v2;
	v1 =	vmul.u32 $0x8, v1;
	s1 =	simm.s32 $0xD100;
	s9 =	simm.s32 $0xD900;
	s11 =	simm.s32 $0xE100  }
.LBB2_1:
0x32: {  	s22 =	rddreg [dreg:$0x4]  }
0x33: {  	s23 =	rddreg [dreg:$0xb]  }
0x34: {  	s25 =	rddreg [dreg:$0xc];
	s0 =	simm.s32 $0x6  }
0x35: {  	[tilespmem:s3], [sflag:$0x6] =	stream.strided.gather [hbm4b:s22+s23], $0x100, s25, s23, $0x38;
	[tilespmem:$0x1F900] =	vst v63  }
0x36: {  	_ =	swait.ge [sflag:s0], $0x100  }
0x37: {  	[sflag:s0] =	ssyncset.done $0x0  }
0x38: {  	[sflag:s0] =	ssyncadd.s32 $0xFFFFFF00  }
0x39: {  	v3 =	vld [tilespmem:$0x0];
	_ =	sdelay $0x4  }
0x3a: {  	v4 =	vshrl.u32 v3, $0x3  }
0x3b: {  	v4 =	vmul.u32 $0x30, v4  }
0x3c: {  	v3 =	vand.u32 $0x7, v3  }
0x3d: {  	v3 =	vor.u32 v3, v4  }
0x3e: {  	v4 =	vperm.xlane v3, v0;
	_ =	sdelay $0x1  }
0x3f: {  	v4 =	vadd.s32 v1, v4;
	_ =	sdelay $0x3  }
0x40: {  	v3 =	vperm.xlane v3, v2  }
0x41: {  	[tilespmem:s15], [sflag:$0x1] =	stream.indirect_vreg.gather [hbm4b:s2+s3], $0x80, v4, vm0, $0xb8;
	[tilespmem:$0x1F900] =	vst v63  }
0x42: {  	s22 =	simm.s32 $0x900;
	v3 =	vadd.s32 v1, v3  }
0x43: {  	[tilespmem:s22], [sflag:$0x1] =	stream.indirect_vreg.gather [hbm4b:s5+s3], $0x80, v4, vm0, $0xb8;
	[tilespmem:$0x1F900] =	vst v63  }
0x44: {  	s23 =	simm.s32 $0x1100  }
0x45: {  	[tilespmem:s23], [sflag:$0x1] =	stream.indirect_vreg.gather [hbm4b:s6+s3], $0x80, v4, vm0, $0xb8;
	[tilespmem:$0x1F900] =	vst v63  }
0x46: {  	s25 =	simm.s32 $0x1900  }
0x47: {  	[tilespmem:s25], [sflag:$0x1] =	stream.indirect_vreg.gather [hbm4b:s2+s3], $0x80, v3, vm0, $0xb8;
	[tilespmem:$0x1F900] =	vst v63  }
0x48: {  	s22 =	simm.s32 $0x2100  }
0x49: {  	[tilespmem:s22], [sflag:$0x1] =	stream.indirect_vreg.gather [hbm4b:s5+s3], $0x80, v3, vm0, $0xb8;
	[tilespmem:$0x1F900] =	vst v63  }
0x4a: {  	s23 =	simm.s32 $0x2900  }
0x4b: {  	[tilespmem:s23], [sflag:$0x1] =	stream.indirect_vreg.gather [hbm4b:s6+s3], $0x80, v3, vm0, $0xb8;
	[tilespmem:$0x1F900] =	vst v63  }
0x4c: {  	v3 =	vld [tilespmem:$0x10];
	_ =	sdelay $0x4  }
0x4d: {  	v46 =	vshrl.u32 v3, $0x3  }
0x4e: {  	v4 =	vmul.u32 $0x30, v46  }
0x4f: {  	v3 =	vand.u32 $0x7, v3  }
0x50: {  	v3 =	vor.u32 v3, v4  }
0x51: {  	v4 =	vperm.xlane v3, v0;
	_ =	sdelay $0x1  }
0x52: {  	v4 =	vadd.s32 v1, v4;
	_ =	sdelay $0x3  }
0x53: {  	s25 =	simm.s32 $0x3100;
	v3 =	vperm.xlane v3, v2  }
0x54: {  	[tilespmem:s25], [sflag:$0x1] =	stream.indirect_vreg.gather [hbm4b:s2+s3], $0x80, v4, vm0, $0xb8;
	[tilespmem:$0x1F900] =	vst v63  }
0x55: {  	s22 =	simm.s32 $0x3900;
	v3 =	vadd.s32 v1, v3  }
0x56: {  	[tilespmem:s22], [sflag:$0x1] =	stream.indirect_vreg.gather [hbm4b:s5+s3], $0x80, v4, vm0, $0xb8;
	[tilespmem:$0x1F900] =	vst v63  }
0x57: {  	s23 =	simm.s32 $0x4100  }
0x58: {  	[tilespmem:s23], [sflag:$0x1] =	stream.indirect_vreg.gather [hbm4b:s6+s3], $0x80, v4, vm0, $0xb8;
	[tilespmem:$0x1F900] =	vst v63  }
0x59: {  	s25 =	simm.s32 $0x4900  }
0x5a: {  	[tilespmem:s25], [sflag:$0x1] =	stream.indirect_vreg.gather [hbm4b:s2+s3], $0x80, v3, vm0, $0xb8;
	[tilespmem:$0x1F900] =	vst v63  }
0x5b: {  	s22 =	simm.s32 $0x5100  }
0x5c: {  	[tilespmem:s22], [sflag:$0x1] =	stream.indirect_vreg.gather [hbm4b:s5+s3], $0x80, v3, vm0, $0xb8;
	[tilespmem:$0x1F900] =	vst v63  }
0x5d: {  	s23 =	simm.s32 $0x5900  }
0x5e: {  	[tilespmem:s23], [sflag:$0x1] =	stream.indirect_vreg.gather [hbm4b:s6+s3], $0x80, v3, vm0, $0xb8;
	[tilespmem:$0x1F900] =	vst v63  }
0x5f: {  	v3 =	vld [tilespmem:$0x20];
	_ =	sdelay $0x4  }
0x60: {  	v47 =	vshrl.u32 v3, $0x3  }
0x61: {  	v4 =	vmul.u32 $0x30, v47  }
0x62: {  	v3 =	vand.u32 $0x7, v3  }
0x63: {  	v3 =	vor.u32 v3, v4  }
0x64: {  	v4 =	vperm.xlane v3, v0;
	_ =	sdelay $0x1  }
0x65: {  	v4 =	vadd.s32 v1, v4;
	_ =	sdelay $0x3  }
0x66: {  	s25 =	simm.s32 $0x6100;
	v3 =	vperm.xlane v3, v2  }
0x67: {  	[tilespmem:s25], [sflag:$0x1] =	stream.indirect_vreg.gather [hbm4b:s2+s3], $0x80, v4, vm0, $0xb8;
	[tilespmem:$0x1F900] =	vst v63  }
0x68: {  	v3 =	vadd.s32 v1, v3;
	s25 =	simm.s32 $0x6900  }
0x69: {  	[tilespmem:s25], [sflag:$0x1] =	stream.indirect_vreg.gather [hbm4b:s5+s3], $0x80, v4, vm0, $0xb8;
	[tilespmem:$0x1F900] =	vst v63  }
0x6a: {  	_ = 	snop  }
0x6b: {  	[tilespmem:s16], [sflag:$0x1] =	stream.indirect_vreg.gather [hbm4b:s6+s3], $0x80, v4, vm0, $0xb8;
	[tilespmem:$0x1F900] =	vst v63  }
0x6c: {  	s0 =	rddreg [dreg:$0xd]  }
0x6d: {  	[tilespmem:s0], [sflag:$0x1] =	stream.indirect_vreg.gather [hbm4b:s2+s3], $0x80, v3, vm0, $0xb8;
	[tilespmem:$0x1F900] =	vst v63  }
0x6e: {  	s23 =	rddreg [dreg:$0xe]  }
0x6f: {  	[tilespmem:s23], [sflag:$0x1] =	stream.indirect_vreg.gather [hbm4b:s5+s3], $0x80, v3, vm0, $0xb8;
	[tilespmem:$0x1F900] =	vst v63  }
0x70: {  	s0 =	rddreg [dreg:$0xf]  }
0x71: {  	[tilespmem:s0], [sflag:$0x1] =	stream.indirect_vreg.gather [hbm4b:s6+s3], $0x80, v3, vm0, $0xb8;
	[tilespmem:$0x1F900] =	vst v63  }
0x72: {  	v3 =	vld.msk [tilespmem:$0x30], $0xff;
	_ =	sdelay $0x4  }
0x73: {  	v48 =	vshrl.u32 v3, $0x3  }
0x74: {  	v4 =	vmul.u32 $0x30, v48  }
0x75: {  	v3 =	vand.u32 $0x7, v3  }
0x76: {  	v3 =	vor.u32 v3, v4  }
0x77: {  	v3 =	vperm.xlane v3, v0;
	_ =	sdelay $0x1  }
0x78: {  	v3 =	vadd.s32 v1, v3;
	_ =	sdelay $0x3  }
0x79: {  	s0 =	rddreg [dreg:$0x10]  }
0x7a: {  	[tilespmem:s0], [sflag:$0x1] =	stream.indirect_vreg.gather [hbm4b:s2+s3], $0x80, v3, vm0, $0xb8;
	[tilespmem:$0x1F900] =	vst v63  }
0x7b: {  	s23 =	rddreg [dreg:$0x11]  }
0x7c: {  	[tilespmem:s23], [sflag:$0x1] =	stream.indirect_vreg.gather [hbm4b:s5+s3], $0x80, v3, vm0, $0xb8;
	[tilespmem:$0x1F900] =	vst v63  }
0x7d: {  	s0 =	rddreg [dreg:$0x12]  }
0x7e: {  	[tilespmem:s0], [sflag:$0x1] =	stream.indirect_vreg.gather [hbm4b:s6+s3], $0x80, v3, vm0, $0xb8;
	[tilespmem:$0x1F900] =	vst v63  }
0x7f: {  	v3 =	vld [tilespmem:$0x38];
	_ =	sdelay $0x4  }
0x80: {  	v49 =	vshrl.u32 v3, $0x3  }
0x81: {  	v4 =	vmul.u32 $0x30, v49  }
0x82: {  	v3 =	vand.u32 $0x7, v3  }
0x83: {  	v3 =	vor.u32 v3, v4  }
0x84: {  	v4 =	vperm.xlane v3, v0;
	_ =	sdelay $0x1  }
0x85: {  	v4 =	vadd.s32 v1, v4;
	_ =	sdelay $0x3  }
0x86: {  	v3 =	vperm.xlane v3, v2  }
0x87: {  	[tilespmem:s12], [sflag:$0x2] =	stream.indirect_vreg.gather [hbm4b:s2+s3], $0x80, v4, vm0, $0xb8;
	[tilespmem:$0x1F900] =	vst v63  }
0x88: {  	v3 =	vadd.s32 v1, v3  }
0x89: {  	[tilespmem:s17], [sflag:$0x2] =	stream.indirect_vreg.gather [hbm4b:s5+s3], $0x80, v4, vm0, $0xb8;
	[tilespmem:$0x1F900] =	vst v63  }
0x8a: {  	_ = 	snop  }
0x8b: {  	[tilespmem:s8], [sflag:$0x2] =	stream.indirect_vreg.gather [hbm4b:s6+s3], $0x80, v4, vm0, $0xb8;
	[tilespmem:$0x1F900] =	vst v63  }
0x8c: {  	_ = 	snop  }
0x8d: {  	[tilespmem:s10], [sflag:$0x2] =	stream.indirect_vreg.gather [hbm4b:s2+s3], $0x80, v3, vm0, $0xb8;
	[tilespmem:$0x1F900] =	vst v63  }
0x8e: {  	s0 =	simm.s32 $0xC900  }
0x8f: {  	[tilespmem:s0], [sflag:$0x2] =	stream.indirect_vreg.gather [hbm4b:s5+s3], $0x80, v3, vm0, $0xb8;
	[tilespmem:$0x1F900] =	vst v63  }
0x90: {  	_ = 	snop  }
0x91: {  	[tilespmem:s1], [sflag:$0x2] =	stream.indirect_vreg.gather [hbm4b:s6+s3], $0x80, v3, vm0, $0xb8;
	[tilespmem:$0x1F900] =	vst v63  }
0x92: {  	v3 =	vld [tilespmem:$0x48];
	_ =	sdelay $0x4  }
0x93: {  	v50 =	vshrl.u32 v3, $0x3  }
0x94: {  	v4 =	vmul.u32 $0x30, v50  }
0x95: {  	v3 =	vand.u32 $0x7, v3  }
0x96: {  	v3 =	vor.u32 v3, v4  }
0x97: {  	v4 =	vperm.xlane v3, v0;
	_ =	sdelay $0x1  }
0x98: {  	v4 =	vadd.s32 v1, v4;
	_ =	sdelay $0x3  }
0x99: {  	v3 =	vperm.xlane v3, v2  }
0x9a: {  	[tilespmem:s9], [sflag:$0x2] =	stream.indirect_vreg.gather [hbm4b:s2+s3], $0x80, v4, vm0, $0xb8;
	[tilespmem:$0x1F900] =	vst v63  }
0x9b: {  	v3 =	vadd.s32 v1, v3  }
0x9c: {  	[tilespmem:s11], [sflag:$0x2] =	stream.indirect_vreg.gather [hbm4b:s5+s3], $0x80, v4, vm0, $0xb8;
	[tilespmem:$0x1F900] =	vst v63  }
0x9d: {  	_ = 	snop  }
0x9e: {  	[tilespmem:s13], [sflag:$0x2] =	stream.indirect_vreg.gather [hbm4b:s6+s3], $0x80, v4, vm0, $0xb8;
	[tilespmem:$0x1F900] =	vst v63  }
0x9f: {  	s22 =	rddreg [dreg:$0x13]  }
0xa0: {  	[tilespmem:s22], [sflag:$0x2] =	stream.indirect_vreg.gather [hbm4b:s2+s3], $0x80, v3, vm0, $0xb8;
	[tilespmem:$0x1F900] =	vst v63  }
0xa1: {  	s23 =	rddreg [dreg:$0x14]  }
0xa2: {  	[tilespmem:s23], [sflag:$0x2] =	stream.indirect_vreg.gather [hbm4b:s5+s3], $0x80, v3, vm0, $0xb8;
	[tilespmem:$0x1F900] =	vst v63  }
0xa3: {  	s22 =	rddreg [dreg:$0x15]  }
0xa4: {  	[tilespmem:s22], [sflag:$0x2] =	stream.indirect_vreg.gather [hbm4b:s6+s3], $0x80, v3, vm0, $0xb8;
	[tilespmem:$0x1F900] =	vst v63  }
0xa5: {  	v3 =	vld [tilespmem:$0x58];
	_ =	sdelay $0x4  }
0xa6: {  	v51 =	vshrl.u32 v3, $0x3  }
0xa7: {  	v4 =	vmul.u32 $0x30, v51  }
0xa8: {  	v3 =	vand.u32 $0x7, v3  }
0xa9: {  	v3 =	vor.u32 v3, v4  }
0xaa: {  	v4 =	vperm.xlane v3, v0;
	_ =	sdelay $0x1  }
0xab: {  	v4 =	vadd.s32 v1, v4;
	_ =	sdelay $0x3  }
0xac: {  	s22 =	rddreg [dreg:$0x16];
	v3 =	vperm.xlane v3, v2  }
0xad: {  	[tilespmem:s22], [sflag:$0x2] =	stream.indirect_vreg.gather [hbm4b:s2+s3], $0x80, v4, vm0, $0xb8;
	[tilespmem:$0x1F900] =	vst v63  }
0xae: {  	s23 =	rddreg [dreg:$0x17];
	v3 =	vadd.s32 v1, v3  }
0xaf: {  	[tilespmem:s23], [sflag:$0x2] =	stream.indirect_vreg.gather [hbm4b:s5+s3], $0x80, v4, vm0, $0xb8;
	[tilespmem:$0x1F900] =	vst v63  }
0xb0: {  	s22 =	rddreg [dreg:$0x18]  }
0xb1: {  	[tilespmem:s22], [sflag:$0x2] =	stream.indirect_vreg.gather [hbm4b:s6+s3], $0x80, v4, vm0, $0xb8;
	[tilespmem:$0x1F900] =	vst v63  }
0xb2: {  	s23 =	rddreg [dreg:$0x19]  }
0xb3: {  	[tilespmem:s23], [sflag:$0x2] =	stream.indirect_vreg.gather [hbm4b:s2+s3], $0x80, v3, vm0, $0xb8;
	[tilespmem:$0x1F900] =	vst v63  }
0xb4: {  	s22 =	rddreg [dreg:$0x1a]  }
0xb5: {  	[tilespmem:s22], [sflag:$0x2] =	stream.indirect_vreg.gather [hbm4b:s5+s3], $0x80, v3, vm0, $0xb8;
	[tilespmem:$0x1F900] =	vst v63  }
0xb6: {  	s23 =	rddreg [dreg:$0x1b]  }
0xb7: {  	[tilespmem:s23], [sflag:$0x2] =	stream.indirect_vreg.gather [hbm4b:s6+s3], $0x80, v3, vm0, $0xb8;
	[tilespmem:$0x1F900] =	vst v63  }
0xb8: {  	v3 =	vld.msk [tilespmem:$0x68], $0xff;
	_ =	sdelay $0x4  }
0xb9: {  	v52 =	vshrl.u32 v3, $0x3  }
0xba: {  	v4 =	vmul.u32 $0x30, v52  }
0xbb: {  	v3 =	vand.u32 $0x7, v3  }
0xbc: {  	v3 =	vor.u32 v3, v4  }
0xbd: {  	v3 =	vperm.xlane v3, v0;
	_ =	sdelay $0x1  }
0xbe: {  	v3 =	vadd.s32 v1, v3;
	_ =	sdelay $0x3  }
0xbf: {  	s22 =	rddreg [dreg:$0x1c]  }
0xc0: {  	[tilespmem:s22], [sflag:$0x2] =	stream.indirect_vreg.gather [hbm4b:s2+s3], $0x80, v3, vm0, $0xb8;
	[tilespmem:$0x1F900] =	vst v63  }
0xc1: {  	s23 =	rddreg [dreg:$0x1d]  }
0xc2: {  	[tilespmem:s23], [sflag:$0x2] =	stream.indirect_vreg.gather [hbm4b:s5+s3], $0x80, v3, vm0, $0xb8;
	[tilespmem:$0x1F900] =	vst v63  }
0xc3: {  	s22 =	rddreg [dreg:$0x1e]  }
0xc4: {  	[tilespmem:s22], [sflag:$0x2] =	stream.indirect_vreg.gather [hbm4b:s6+s3], $0x80, v3, vm0, $0xb8;
	[tilespmem:$0x1F900] =	vst v63  }
0xc5: {  	_ =	swait.ge [sflag:s4], $0xA800  }
0xc6: {  	s23 =	sld [smem:$0x7EF]  }
0xc7: {  	[sflag:s4] =	ssyncset.done $0x0  }
0xc8: {  	[sflag:s4] =	ssyncadd.s32 $0xFFFF5800  }
0xc9: {  	[hbm4b:s23+s3] =	stream.linear.scatter [tilespmem:s15], [sflag:$0x3], $0xA800, $0x38;
	[tilespmem:$0x1F900] =	vst v63  }
0xca: {  	v3 =	vld [tilespmem:$0x70];
	_ =	sdelay $0x4  }
0xcb: {  	v53 =	vshrl.u32 v3, $0x3  }
0xcc: {  	v4 =	vmul.u32 $0x30, v53  }
0xcd: {  	v3 =	vand.u32 $0x7, v3  }
0xce: {  	v3 =	vor.u32 v3, v4  }
0xcf: {  	v4 =	vperm.xlane v3, v0;
	_ =	sdelay $0x1  }
0xd0: {  	v4 =	vadd.s32 v1, v4;
	_ =	sdelay $0x3  }
0xd1: {  	v3 =	vperm.xlane v3, v2  }
0xd2: {  	[tilespmem:s24], [sflag:$0x1] =	stream.indirect_vreg.gather [hbm4b:s2+s3], $0x80, v4, vm0, $0xb8;
	[tilespmem:$0x1F900] =	vst v63  }
0xd3: {  	v3 =	vadd.s32 v1, v3  }
0xd4: {  	[tilespmem:s26], [sflag:$0x1] =	stream.indirect_vreg.gather [hbm4b:s5+s3], $0x80, v4, vm0, $0xb8;
	[tilespmem:$0x1F900] =	vst v63  }
0xd5: {  	_ = 	snop  }
0xd6: {  	[tilespmem:s28], [sflag:$0x1] =	stream.indirect_vreg.gather [hbm4b:s6+s3], $0x80, v4, vm0, $0xb8;
	[tilespmem:$0x1F900] =	vst v63  }
0xd7: {  	_ = 	snop  }
0xd8: {  	[tilespmem:s29], [sflag:$0x1] =	stream.indirect_vreg.gather [hbm4b:s2+s3], $0x80, v3, vm0, $0xb8;
	[tilespmem:$0x1F900] =	vst v63  }
0xd9: {  	_ = 	snop  }
0xda: {  	[tilespmem:s30], [sflag:$0x1] =	stream.indirect_vreg.gather [hbm4b:s5+s3], $0x80, v3, vm0, $0xb8;
	[tilespmem:$0x1F900] =	vst v63  }
0xdb: {  	_ = 	snop  }
0xdc: {  	[tilespmem:s31], [sflag:$0x1] =	stream.indirect_vreg.gather [hbm4b:s6+s3], $0x80, v3, vm0, $0xb8;
	[tilespmem:$0x1F900] =	vst v63  }
0xdd: {  	v3 =	vld [tilespmem:$0x80];
	_ =	sdelay $0x4  }
0xde: {  	v54 =	vshrl.u32 v3, $0x3  }
0xdf: {  	v4 =	vmul.u32 $0x30, v54  }
0xe0: {  	v3 =	vand.u32 $0x7, v3  }
0xe1: {  	v3 =	vor.u32 v3, v4  }
0xe2: {  	v4 =	vperm.xlane v3, v0;
	_ =	sdelay $0x1  }
0xe3: {  	v4 =	vadd.s32 v1, v4;
	_ =	sdelay $0x2  }
0xe4: {  	s22 =	rddreg [dreg:$0x1f]  }
0xe5: {  	s23 =	sld [smem:$0x7F0];
	v3 =	vperm.xlane v3, v2  }
0xe6: {  	[tilespmem:s22], [sflag:$0x1] =	stream.indirect_vreg.gather [hbm4b:s2+s3], $0x80, v4, vm0, $0xb8;
	[tilespmem:$0x1F900] =	vst v63  }
0xe7: {  	v3 =	vadd.s32 v1, v3;
	s22 =	sld [smem:$0x7F1]  }
0xe8: {  	[tilespmem:s23], [sflag:$0x1] =	stream.indirect_vreg.gather [hbm4b:s5+s3], $0x80, v4, vm0, $0xb8;
	[tilespmem:$0x1F900] =	vst v63  }
0xe9: {  	s23 =	sld [smem:$0x7F2]  }
0xea: {  	[tilespmem:s22], [sflag:$0x1] =	stream.indirect_vreg.gather [hbm4b:s6+s3], $0x80, v4, vm0, $0xb8;
	[tilespmem:$0x1F900] =	vst v63  }
0xeb: {  	s22 =	sld [smem:$0x7F3]  }
0xec: {  	[tilespmem:s23], [sflag:$0x1] =	stream.indirect_vreg.gather [hbm4b:s2+s3], $0x80, v3, vm0, $0xb8;
	[tilespmem:$0x1F900] =	vst v63  }
0xed: {  	s23 =	sld [smem:$0x7F4]  }
0xee: {  	[tilespmem:s22], [sflag:$0x1] =	stream.indirect_vreg.gather [hbm4b:s5+s3], $0x80, v3, vm0, $0xb8;
	[tilespmem:$0x1F900] =	vst v63  }
0xef: {  	_ = 	snop  }
0xf0: {  	[tilespmem:s23], [sflag:$0x1] =	stream.indirect_vreg.gather [hbm4b:s6+s3], $0x80, v3, vm0, $0xb8;
	[tilespmem:$0x1F900] =	vst v63  }
0xf1: {  	v3 =	vld [tilespmem:$0x90];
	_ =	sdelay $0x4  }
0xf2: {  	v55 =	vshrl.u32 v3, $0x3  }
0xf3: {  	v4 =	vmul.u32 $0x30, v55  }
0xf4: {  	v3 =	vand.u32 $0x7, v3  }
0xf5: {  	v3 =	vor.u32 v3, v4  }
0xf6: {  	v4 =	vperm.xlane v3, v0;
	_ =	sdelay $0x1  }
0xf7: {  	v4 =	vadd.s32 v1, v4;
	_ =	sdelay $0x1  }
0xf8: {  	s22 =	sld [smem:$0x7F5];
	_ =	sdelay $0x1  }
0xf9: {  	s23 =	sld [smem:$0x7F6];
	v3 =	vperm.xlane v3, v2  }
0xfa: {  	[tilespmem:s22], [sflag:$0x1] =	stream.indirect_vreg.gather [hbm4b:s2+s3], $0x80, v4, vm0, $0xb8;
	[tilespmem:$0x1F900] =	vst v63  }
0xfb: {  	v3 =	vadd.s32 v1, v3;
	s22 =	sld [smem:$0x7F7]  }
0xfc: {  	[tilespmem:s23], [sflag:$0x1] =	stream.indirect_vreg.gather [hbm4b:s5+s3], $0x80, v4, vm0, $0xb8;
	[tilespmem:$0x1F900] =	vst v63  }
0xfd: {  	s23 =	sld [smem:$0x7F8]  }
0xfe: {  	[tilespmem:s22], [sflag:$0x1] =	stream.indirect_vreg.gather [hbm4b:s6+s3], $0x80, v4, vm0, $0xb8;
	[tilespmem:$0x1F900] =	vst v63  }
0xff: {  	s22 =	sld [smem:$0x7F9]  }
0x100: {  	[tilespmem:s23], [sflag:$0x1] =	stream.indirect_vreg.gather [hbm4b:s2+s3], $0x80, v3, vm0, $0xb8;
	[tilespmem:$0x1F900] =	vst v63  }
0x101: {  	s23 =	sld [smem:$0x7FA]  }
0x102: {  	[tilespmem:s22], [sflag:$0x1] =	stream.indirect_vreg.gather [hbm4b:s5+s3], $0x80, v3, vm0, $0xb8;
	[tilespmem:$0x1F900] =	vst v63  }
0x103: {  	_ = 	snop  }
0x104: {  	[tilespmem:s23], [sflag:$0x1] =	stream.indirect_vreg.gather [hbm4b:s6+s3], $0x80, v3, vm0, $0xb8;
	[tilespmem:$0x1F900] =	vst v63  }
0x105: {  	v3 =	vld.msk [tilespmem:$0xA0], $0xff;
	_ =	sdelay $0x4  }
0x106: {  	v56 =	vshrl.u32 v3, $0x3  }
0x107: {  	v4 =	vmul.u32 $0x30, v56  }
0x108: {  	v3 =	vand.u32 $0x7, v3  }
0x109: {  	v3 =	vor.u32 v3, v4  }
0x10a: {  	v3 =	vperm.xlane v3, v0;
	_ =	sdelay $0x1  }
0x10b: {  	v3 =	vadd.s32 v1, v3;
	_ =	sdelay $0x1  }
0x10c: {  	s22 =	sld [smem:$0x7FB];
	_ =	sdelay $0x1  }
0x10d: {  	s23 =	sld [smem:$0x7FC]  }
0x10e: {  	[tilespmem:s22], [sflag:$0x1] =	stream.indirect_vreg.gather [hbm4b:s2+s3], $0x80, v3, vm0, $0xb8;
	[tilespmem:$0x1F900] =	vst v63  }
0x10f: {  	s22 =	sld [smem:$0x7FD]  }
0x110: {  	[tilespmem:s23], [sflag:$0x1] =	stream.indirect_vreg.gather [hbm4b:s5+s3], $0x80, v3, vm0, $0xb8;
	[tilespmem:$0x1F900] =	vst v63  }
0x111: {  	_ = 	snop  }
0x112: {  	[tilespmem:s22], [sflag:$0x1] =	stream.indirect_vreg.gather [hbm4b:s6+s3], $0x80, v3, vm0, $0xb8;
	[tilespmem:$0x1F900] =	vst v63  }
0x113: {  	_ =	swait.ge [sflag:s18], $0xA800  }
0x114: {  	[sflag:s18] =	ssyncset.done $0x0  }
0x115: {  	s23 =	rddreg [dreg:$0x5];
	[sflag:s18] =	ssyncadd.s32 $0xFFFF5800  }
0x116: {  	[hbm4b:s23+s3] =	stream.linear.scatter [tilespmem:s12], [sflag:$0x4], $0xA800, $0x38;
	[tilespmem:$0x1F900] =	vst v63  }
0x117: {  	_ =	swait.ge [sflag:s19], $0xA800  }
0x118: {  	[sflag:s19] =	ssyncset.done $0x0  }
0x119: {  	[sflag:s19] =	ssyncadd.s32 $0xFFFF5800  }
0x11a: {  	v3 =	vld [tilespmem:$0xA8];
	_ =	sdelay $0x4  }
0x11b: {  	v57 =	vshrl.u32 v3, $0x3  }
0x11c: {  	v4 =	vmul.u32 $0x30, v57  }
0x11d: {  	v3 =	vand.u32 $0x7, v3  }
0x11e: {  	v3 =	vor.u32 v3, v4  }
0x11f: {  	v4 =	vperm.xlane v3, v0;
	_ =	sdelay $0x1  }
0x120: {  	v4 =	vadd.s32 v1, v4;
	_ =	sdelay $0x3  }
0x121: {  	v3 =	vperm.xlane v3, v2  }
0x122: {  	[tilespmem:s15], [sflag:$0x2] =	stream.indirect_vreg.gather [hbm4b:s2+s3], $0x80, v4, vm0, $0xb8;
	[tilespmem:$0x1F900] =	vst v63  }
0x123: {  	s23 =	simm.s32 $0x900;
	v3 =	vadd.s32 v1, v3  }
0x124: {  	[tilespmem:s23], [sflag:$0x2] =	stream.indirect_vreg.gather [hbm4b:s5+s3], $0x80, v4, vm0, $0xb8;
	[tilespmem:$0x1F900] =	vst v63  }
0x125: {  	_ = 	snop  }
0x126: {  	[tilespmem:s14], [sflag:$0x2] =	stream.indirect_vreg.gather [hbm4b:s6+s3], $0x80, v4, vm0, $0xb8;
	[tilespmem:$0x1F900] =	vst v63  }
0x127: {  	s22 =	simm.s32 $0x1900  }
0x128: {  	[tilespmem:s22], [sflag:$0x2] =	stream.indirect_vreg.gather [hbm4b:s2+s3], $0x80, v3, vm0, $0xb8;
	[tilespmem:$0x1F900] =	vst v63  }
0x129: {  	s22 =	simm.s32 $0x2100  }
0x12a: {  	[tilespmem:s22], [sflag:$0x2] =	stream.indirect_vreg.gather [hbm4b:s5+s3], $0x80, v3, vm0, $0xb8;
	[tilespmem:$0x1F900] =	vst v63  }
0x12b: {  	s22 =	simm.s32 $0x2900  }
0x12c: {  	[tilespmem:s22], [sflag:$0x2] =	stream.indirect_vreg.gather [hbm4b:s6+s3], $0x80, v3, vm0, $0xb8;
	[tilespmem:$0x1F900] =	vst v63  }
0x12d: {  	v3 =	vld [tilespmem:$0xB8];
	_ =	sdelay $0x4  }
0x12e: {  	v58 =	vshrl.u32 v3, $0x3  }
0x12f: {  	v4 =	vmul.u32 $0x30, v58  }
0x130: {  	v3 =	vand.u32 $0x7, v3  }
0x131: {  	v3 =	vor.u32 v3, v4  }
0x132: {  	v4 =	vperm.xlane v3, v0;
	_ =	sdelay $0x1  }
0x133: {  	v4 =	vadd.s32 v1, v4;
	_ =	sdelay $0x3  }
0x134: {  	s22 =	simm.s32 $0x3100;
	v3 =	vperm.xlane v3, v2  }
0x135: {  	[tilespmem:s22], [sflag:$0x2] =	stream.indirect_vreg.gather [hbm4b:s2+s3], $0x80, v4, vm0, $0xb8;
	[tilespmem:$0x1F900] =	vst v63  }
0x136: {  	v3 =	vadd.s32 v1, v3;
	s22 =	simm.s32 $0x3900  }
0x137: {  	[tilespmem:s22], [sflag:$0x2] =	stream.indirect_vreg.gather [hbm4b:s5+s3], $0x80, v4, vm0, $0xb8;
	[tilespmem:$0x1F900] =	vst v63  }
0x138: {  	s22 =	simm.s32 $0x4100  }
0x139: {  	[tilespmem:s22], [sflag:$0x2] =	stream.indirect_vreg.gather [hbm4b:s6+s3], $0x80, v4, vm0, $0xb8;
	[tilespmem:$0x1F900] =	vst v63  }
0x13a: {  	s22 =	simm.s32 $0x4900  }
0x13b: {  	[tilespmem:s22], [sflag:$0x2] =	stream.indirect_vreg.gather [hbm4b:s2+s3], $0x80, v3, vm0, $0xb8;
	[tilespmem:$0x1F900] =	vst v63  }
0x13c: {  	s22 =	simm.s32 $0x5100  }
0x13d: {  	[tilespmem:s22], [sflag:$0x2] =	stream.indirect_vreg.gather [hbm4b:s5+s3], $0x80, v3, vm0, $0xb8;
	[tilespmem:$0x1F900] =	vst v63  }
0x13e: {  	s22 =	simm.s32 $0x5900  }
0x13f: {  	[tilespmem:s22], [sflag:$0x2] =	stream.indirect_vreg.gather [hbm4b:s6+s3], $0x80, v3, vm0, $0xb8;
	[tilespmem:$0x1F900] =	vst v63  }
0x140: {  	v3 =	vld.msk [tilespmem:$0xC8], $0xff;
	_ =	sdelay $0x4  }
0x141: {  	v59 =	vshrl.u32 v3, $0x3  }
0x142: {  	v4 =	vmul.u32 $0x30, v59  }
0x143: {  	v3 =	vand.u32 $0x7, v3  }
0x144: {  	v3 =	vor.u32 v3, v4  }
0x145: {  	v3 =	vperm.xlane v3, v0;
	_ =	sdelay $0x1  }
0x146: {  	v3 =	vadd.s32 v1, v3;
	_ =	sdelay $0x3  }
0x147: {  	s22 =	simm.s32 $0x6100  }
0x148: {  	[tilespmem:s22], [sflag:$0x2] =	stream.indirect_vreg.gather [hbm4b:s2+s3], $0x80, v3, vm0, $0xb8;
	[tilespmem:$0x1F900] =	vst v63  }
0x149: {  	_ = 	snop  }
0x14a: {  	[tilespmem:s25], [sflag:$0x2] =	stream.indirect_vreg.gather [hbm4b:s5+s3], $0x80, v3, vm0, $0xb8;
	[tilespmem:$0x1F900] =	vst v63  }
0x14b: {  	_ = 	snop  }
0x14c: {  	[tilespmem:s16], [sflag:$0x2] =	stream.indirect_vreg.gather [hbm4b:s6+s3], $0x80, v3, vm0, $0xb8;
	[tilespmem:$0x1F900] =	vst v63  }
0x14d: {  	_ =	swait.ge [sflag:s4], $0xA800  }
0x14e: {  	[sflag:s4] =	ssyncset.done $0x0  }
0x14f: {  	s25 =	rddreg [dreg:$0x6];
	[sflag:s4] =	ssyncadd.s32 $0xFFFF5800  }
0x150: {  	[hbm4b:s25+s3] =	stream.linear.scatter [tilespmem:s24], [sflag:$0x5], $0xA800, $0x38;
	[tilespmem:$0x1F900] =	vst v63  }
0x151: {  	_ =	swait.ge [sflag:s20], $0xA800  }
0x152: {  	[sflag:s20] =	ssyncset.done $0x0  }
0x153: {  	[sflag:s20] =	ssyncadd.s32 $0xFFFF5800  }
0x154: {  	v3 =	vld [tilespmem:$0xD0];
	_ =	sdelay $0x4  }
0x155: {  	v60 =	vshrl.u32 v3, $0x3  }
0x156: {  	v4 =	vmul.u32 $0x30, v60  }
0x157: {  	v3 =	vand.u32 $0x7, v3  }
0x158: {  	v3 =	vor.u32 v3, v4  }
0x159: {  	v4 =	vperm.xlane v3, v0;
	_ =	sdelay $0x1  }
0x15a: {  	v4 =	vadd.s32 v1, v4;
	_ =	sdelay $0x3  }
0x15b: {  	v3 =	vperm.xlane v3, v2  }
0x15c: {  	[tilespmem:s12], [sflag:$0x1] =	stream.indirect_vreg.gather [hbm4b:s2+s3], $0x80, v4, vm0, $0xb8;
	[tilespmem:$0x1F900] =	vst v63  }
0x15d: {  	v3 =	vadd.s32 v1, v3  }
0x15e: {  	[tilespmem:s17], [sflag:$0x1] =	stream.indirect_vreg.gather [hbm4b:s5+s3], $0x80, v4, vm0, $0xb8;
	[tilespmem:$0x1F900] =	vst v63  }
0x15f: {  	_ = 	snop  }
0x160: {  	[tilespmem:s8], [sflag:$0x1] =	stream.indirect_vreg.gather [hbm4b:s6+s3], $0x80, v4, vm0, $0xb8;
	[tilespmem:$0x1F900] =	vst v63  }
0x161: {  	_ = 	snop  }
0x162: {  	[tilespmem:s10], [sflag:$0x1] =	stream.indirect_vreg.gather [hbm4b:s2+s3], $0x80, v3, vm0, $0xb8;
	[tilespmem:$0x1F900] =	vst v63  }
0x163: {  	_ = 	snop  }
0x164: {  	[tilespmem:s0], [sflag:$0x1] =	stream.indirect_vreg.gather [hbm4b:s5+s3], $0x80, v3, vm0, $0xb8;
	[tilespmem:$0x1F900] =	vst v63  }
0x165: {  	_ = 	snop  }
0x166: {  	[tilespmem:s1], [sflag:$0x1] =	stream.indirect_vreg.gather [hbm4b:s6+s3], $0x80, v3, vm0, $0xb8;
	[tilespmem:$0x1F900] =	vst v63  }
0x167: {  	v3 =	vld.msk [tilespmem:$0xE0], $0xff;
	_ =	sdelay $0x4  }
0x168: {  	v61 =	vshrl.u32 v3, $0x3  }
0x169: {  	v4 =	vmul.u32 $0x30, v61  }
0x16a: {  	v3 =	vand.u32 $0x7, v3  }
0x16b: {  	v3 =	vor.u32 v3, v4  }
0x16c: {  	v3 =	vperm.xlane v3, v0;
	_ =	sdelay $0x1  }
0x16d: {  	v3 =	vadd.s32 v1, v3;
	_ =	sdelay $0x4  }
0x16e: {  	[tilespmem:s9], [sflag:$0x1] =	stream.indirect_vreg.gather [hbm4b:s2+s3], $0x80, v3, vm0, $0xb8;
	[tilespmem:$0x1F900] =	vst v63  }
0x16f: {  	_ = 	snop  }
0x170: {  	[tilespmem:s11], [sflag:$0x1] =	stream.indirect_vreg.gather [hbm4b:s5+s3], $0x80, v3, vm0, $0xb8;
	[tilespmem:$0x1F900] =	vst v63  }
0x171: {  	_ = 	snop  }
0x172: {  	[tilespmem:s13], [sflag:$0x1] =	stream.indirect_vreg.gather [hbm4b:s6+s3], $0x80, v3, vm0, $0xb8;
	[tilespmem:$0x1F900] =	vst v63  }
0x173: {  	_ =	swait.ge [sflag:s18], $0x7800  }
0x174: {  	[sflag:s18] =	ssyncset.done $0x0  }
0x175: {  	s25 =	rddreg [dreg:$0x7];
	[sflag:s18] =	ssyncadd.s32 $0xFFFF8800  }
0x176: {  	[hbm4b:s25+s3] =	stream.linear.scatter [tilespmem:s15], [sflag:$0x3], $0x7800, $0x38;
	[tilespmem:$0x1F900] =	vst v63  }
0x177: {  	_ =	swait.ge [sflag:s21], $0xA800  }
0x178: {  	[sflag:s21] =	ssyncset.done $0x0  }
0x179: {  	[sflag:s21] =	ssyncadd.s32 $0xFFFF5800  }
0x17a: {  	v3 =	vld [tilespmem:$0xE8];
	_ =	sdelay $0x4  }
0x17b: {  	v62 =	vshrl.u32 v3, $0x3  }
0x17c: {  	v4 =	vmul.u32 $0x30, v62  }
0x17d: {  	v3 =	vand.u32 $0x7, v3  }
0x17e: {  	v3 =	vor.u32 v3, v4  }
0x17f: {  	v4 =	vperm.xlane v3, v0;
	_ =	sdelay $0x1  }
0x180: {  	v4 =	vadd.s32 v1, v4;
	_ =	sdelay $0x3  }
0x181: {  	v3 =	vperm.xlane v3, v2  }
0x182: {  	[tilespmem:s24], [sflag:$0x2] =	stream.indirect_vreg.gather [hbm4b:s2+s3], $0x80, v4, vm0, $0xb8;
	[tilespmem:$0x1F900] =	vst v63  }
0x183: {  	v3 =	vadd.s32 v1, v3  }
0x184: {  	[tilespmem:s26], [sflag:$0x2] =	stream.indirect_vreg.gather [hbm4b:s5+s3], $0x80, v4, vm0, $0xb8;
	[tilespmem:$0x1F900] =	vst v63  }
0x185: {  	_ = 	snop  }
0x186: {  	[tilespmem:s28], [sflag:$0x2] =	stream.indirect_vreg.gather [hbm4b:s6+s3], $0x80, v4, vm0, $0xb8;
	[tilespmem:$0x1F900] =	vst v63  }
0x187: {  	_ = 	snop  }
0x188: {  	[tilespmem:s29], [sflag:$0x2] =	stream.indirect_vreg.gather [hbm4b:s2+s3], $0x80, v3, vm0, $0xb8;
	[tilespmem:$0x1F900] =	vst v63  }
0x189: {  	_ = 	snop  }
0x18a: {  	[tilespmem:s30], [sflag:$0x2] =	stream.indirect_vreg.gather [hbm4b:s5+s3], $0x80, v3, vm0, $0xb8;
	[tilespmem:$0x1F900] =	vst v63  }
0x18b: {  	_ = 	snop  }
0x18c: {  	[tilespmem:s31], [sflag:$0x2] =	stream.indirect_vreg.gather [hbm4b:s6+s3], $0x80, v3, vm0, $0xb8;
	[tilespmem:$0x1F900] =	vst v63  }
0x18d: {  	_ =	swait.ge [sflag:s4], $0x4800  }
0x18e: {  	[sflag:s4] =	ssyncset.done $0x0  }
0x18f: {  	s0 =	rddreg [dreg:$0x8];
	[sflag:s4] =	ssyncadd.s32 $0xFFFFB800  }
0x190: {  	[hbm4b:s0+s3] =	stream.linear.scatter [tilespmem:s12], [sflag:$0x4], $0x4800, $0x38;
	[tilespmem:$0x1F900] =	vst v63  }
0x191: {  	_ =	swait.ge [sflag:s19], $0x7800  }
0x192: {  	[sflag:s19] =	ssyncset.done $0x0  }
0x193: {  	[sflag:s19] =	ssyncadd.s32 $0xFFFF8800  }
0x194: {  	v3 =	vld.msk [tilespmem:$0xF8], $0xff;
	_ =	sdelay $0x4  }
0x195: {  	v63 =	vshrl.u32 v3, $0x3  }
0x196: {  	v4 =	vmul.u32 $0x30, v63  }
0x197: {  	v3 =	vand.u32 $0x7, v3  }
0x198: {  	v3 =	vor.u32 v3, v4  }
0x199: {  	v3 =	vperm.xlane v3, v0;
	_ =	sdelay $0x1  }
0x19a: {  	v3 =	vadd.s32 v1, v3;
	_ =	sdelay $0x4  }
0x19b: {  	[tilespmem:s15], [sflag:$0x1] =	stream.indirect_vreg.gather [hbm4b:s2+s3], $0x80, v3, vm0, $0xb8;
	[tilespmem:$0x1F900] =	vst v63  }
0x19c: {  	_ = 	snop  }
0x19d: {  	[tilespmem:s23], [sflag:$0x1] =	stream.indirect_vreg.gather [hbm4b:s5+s3], $0x80, v3, vm0, $0xb8;
	[tilespmem:$0x1F900] =	vst v63  }
0x19e: {  	_ = 	snop  }
0x19f: {  	[tilespmem:s14], [sflag:$0x1] =	stream.indirect_vreg.gather [hbm4b:s6+s3], $0x80, v3, vm0, $0xb8;
	[tilespmem:$0x1F900] =	vst v63  }
0x1a0: {  	_ =	swait.ge [sflag:s18], $0x3000  }
0x1a1: {  	[sflag:s18] =	ssyncset.done $0x0  }
0x1a2: {  	s23 =	rddreg [dreg:$0x9];
	[sflag:s18] =	ssyncadd.s32 $0xFFFFD000  }
0x1a3: {  	[hbm4b:s23+s3] =	stream.linear.scatter [tilespmem:s24], [sflag:$0x5], $0x3000, $0x38;
	[tilespmem:$0x1F900] =	vst v63  }
0x1a4: {  	_ =	swait.ge [sflag:s4], $0x1800  }
0x1a5: {  	[sflag:s4] =	ssyncset.done $0x0  }
0x1a6: {  	s25 =	rddreg [dreg:$0xa];
	[sflag:s4] =	ssyncadd.s32 $0xFFFFE800  }
0x1a7: {  	[hbm4b:s25+s3] =	stream.linear.scatter [tilespmem:s15], [sflag:$0x3], $0x1800, $0x38;
	[tilespmem:$0x1F900] =	vst v63  }
0x1a8: {  	_ =	swait.ge [sflag:s20], $0x4800  }
0x1a9: {  	[sflag:s20] =	ssyncset.done $0x0  }
0x1aa: {  	[sflag:s20] =	ssyncadd.s32 $0xFFFFB800  }
0x1ab: {  	p0 =	sne.s32 s7, $0x1;
	_ =	swait.ge [sflag:s21], $0x3000  }
.Ltmp0:
0x1ac: {  	[sflag:s21] =	ssyncset.done $0x0;
	(pc) =	sbr.rel @p0 .LBB2_1-.Ltmp0, $4  }
0x1ad: {  	[sflag:s21] =	ssyncadd.s32 $0xFFFFD000  }
0x1ae: {  	_ =	swait.ge [sflag:s19], $0x1800  }
0x1af: {  	[sflag:s19] =	ssyncset.done $0x0  }
0x1b0: {  	s7 =	sadd.s32 $0xFFFFFFFF, s7;
	[sflag:s19] =	ssyncadd.s32 $0xFFFFE800  }
0x1b1: {  	_ =	sfence.sel $0x180000  }
0x1b2: {  	[bflag:$0x0] =	sbarrier.arrive $0xFFFF  }
0x1b3: {  	_ =	strace $0x90000047  }
0x1b4: {  	s0 =	stileid.u32;
	[bflag:$0x2] =	sbarrier.arrive $0xFFFF  }
0x1b5: {  	p0 =	sne.s32 s0, $0x0;
	s0 =	rddreg [dreg:$0x3]  }
0x1b6: {  	s0 =	sadd.s32 @!p0 $0x100000, s0  }
0x1b7: {  	[sflag:s0] =	ssyncadd.tile.s32 @!p0 $0x1;
	_ =	shalt  }
.Lfunc_end2:
_tile_overlayer_lowered:
.L_overlay_start_2:
0x1b8: {  	(tag) =	ssettag $0x2  }
0x1b9: {  	s0 =	rddreg [dreg:$0x0];
	s2 =	stileid.u32  }
0x1ba: {  	s1 =	rddreg [dreg:$0x1];
	p0 =	sne.s32 s2, $0x0  }
0x1bb: {  	s3 =	rddreg [dreg:$0x2];
	[bflag:$0x3] =	sbarrier.arrive $0xFFFF;
	s2 =	simm.s32 @!p0 $0x1C06  }
0x1bc: {  	[timem:s3], [sflag:s2] =	dma.local @!p0 [hbm:s0], s1  }
0x1bd: {  	s0 =	simm.s32 @!p0 $0x6  }
0x1be: {  	_ =	swait.ge @!p0 [sflag:s0], s1  }
0x1bf: {  	s1 =	ssub.s32 @!p0 $0x0, s1;
	[sflag:s0] =	ssyncset.done @!p0 $0x0  }
0x1c0: {  	[sflag:s0] =	ssyncadd.s32 @!p0 s1  }
0x1c1: {  	[bflag:$0x3] =	sbarrier.arrive $0xFFFF  }
0x1c2: {  	_ =	shalt  }

</sc_bundles>
